<compile_context>
chip_gen: v7x
topology: tpu7x:2x2x1
jax: 0.10.2.dev20260603
libtpu: 0.0.44.dev20260713+nightly
codegen_flags: <defaults>
</compile_context>

<pallas_src>
import functools

import jax
import jax.numpy as jnp
from jax import lax
from jax.experimental import pallas as pl
from jax.experimental.pallas import tpu as pltpu
from jax.experimental.pallas import tpu_sc as plsc

N = 100000
D = 128
QN = 1024
KTOP = 32
SEG = 128
NSEG = 784
NPAD = NSEG * SEG
ST = 2048
NST = NPAD // ST
QT = 256
NQT = QN // QT
CW = KTOP * SEG
B = QN * KTOP
NC, NSUB = 2, 16
NW = NC * NSUB
BPW = B // NW
ICH = BPW // 128
HB = BPW // 2
BIG = 1e30


def _dist_body(state_ref, emb_ref, d_ref, segmin_ref, asum_ref):
    qi = pl.program_id(0)
    si = pl.program_id(1)
    x = state_ref[...]
    e = emb_ref[...]
    dot = lax.dot_general(x, e, (((1,), (1,)), ((), ())),
                          preferred_element_type=jnp.float32)
    q2 = jnp.sum(x * x, axis=1, keepdims=True)
    e2 = jnp.sum(e * e, axis=1)[None, :]
    d2 = q2 + e2 - 2.0 * dot
    dist = jnp.sqrt(jnp.maximum(d2, 1e-12))

    @pl.when((qi == 0) & (si == 0))
    def _():
        asum_ref[0, 0] = 0.0

    @pl.when(si < NST - 1)
    def _():
        d_ref[...] = dist
        segmin_ref[0] = jnp.min(dist.reshape(QT, ST // SEG, SEG), axis=2)
        asum_ref[0, 0] += jnp.sum(dist)

    @pl.when(si == NST - 1)
    def _():
        col = si * ST + lax.broadcasted_iota(jnp.int32, (QT, ST), 1)
        pad = col >= N
        dist_m = jnp.where(pad, BIG, dist)
        d_ref[...] = dist_m
        segmin_ref[0] = jnp.min(dist_m.reshape(QT, ST // SEG, SEG), axis=2)
        asum_ref[0, 0] += jnp.sum(jnp.where(pad, 0.0, dist))


def _distances(state, emb_pad):
    return pl.pallas_call(
        _dist_body,
        grid=(NQT, NST),
        in_specs=[
            pl.BlockSpec((QT, D), lambda qi, si: (qi, 0)),
            pl.BlockSpec((ST, D), lambda qi, si: (si, 0)),
        ],
        out_specs=[
            pl.BlockSpec((QT, ST), lambda qi, si: (qi, si)),
            pl.BlockSpec((1, QT, ST // SEG), lambda qi, si: (si, qi, 0)),
            pl.BlockSpec((1, 1), lambda qi, si: (0, 0),
                         memory_space=pltpu.SMEM),
        ],
        out_shape=[
            jax.ShapeDtypeStruct((QN, NPAD), jnp.float32),
            jax.ShapeDtypeStruct((NST, QN, ST // SEG), jnp.float32),
            jax.ShapeDtypeStruct((1, 1), jnp.float32),
        ],
    )(state, emb_pad)


def _select_body(segmin_ref, rowidx_ref, segidx_ref, scr):
    qi = pl.program_id(0)
    scr[...] = segmin_ref[...]
    colio = lax.broadcasted_iota(jnp.int32, (QT, NSEG), 1)
    kio = lax.broadcasted_iota(jnp.int32, (QT, KTOP), 1)

    def step(k, acc):
        m = scr[...]
        mn = jnp.min(m, axis=1, keepdims=True)
        ii = jnp.min(jnp.where(m == mn, colio, NSEG), axis=1, keepdims=True)
        acc = jnp.where(kio == k, ii, acc)
        scr[...] = jnp.where(colio == ii, BIG, m)
        return acc

    acc = lax.fori_loop(0, KTOP, step, jnp.zeros((QT, KTOP), jnp.int32))
    segidx_ref[...] = acc
    qrow = qi * QT + lax.broadcasted_iota(jnp.int32, (QT, KTOP), 0)
    rowidx_ref[...] = acc + qrow * NSEG


def _select(segmin):
    return pl.pallas_call(
        _select_body,
        grid=(NQT,),
        in_specs=[pl.BlockSpec((QT, NSEG), lambda qi: (qi, 0))],
        out_specs=[
            pl.BlockSpec((QT, KTOP), lambda qi: (qi, 0)),
            pl.BlockSpec((QT, KTOP), lambda qi: (qi, 0)),
        ],
        out_shape=[
            jax.ShapeDtypeStruct((QN, KTOP), jnp.int32),
            jax.ShapeDtypeStruct((QN, KTOP), jnp.int32),
        ],
        scratch_shapes=[pltpu.VMEM((QT, NSEG), jnp.float32)],
    )(segmin)


_SC_MESH = plsc.VectorSubcoreMesh(core_axis_name="c", subcore_axis_name="s")


@functools.partial(
    pl.kernel,
    mesh=_SC_MESH,
    out_type=[
        jax.ShapeDtypeStruct((B, SEG), jnp.float32),
        jax.ShapeDtypeStruct((B, SEG), jnp.float32),
    ],
    scratch_types=[
        pltpu.VMEM((ICH, 128), jnp.int32),
        pltpu.VMEM((HB, SEG), jnp.float32),
        pltpu.SemaphoreType.DMA,
    ],
)
def _sc_gather(drows_hbm, qvseg_hbm, rowidx_hbm, segidx_hbm,
               dcand_hbm, vcand_hbm, idx_v, rows_v, sem):
    wid = lax.axis_index("s") * NC + lax.axis_index("c")
    base = wid * BPW
    for table, idx_hbm, out_hbm in (
        (drows_hbm, rowidx_hbm, dcand_hbm),
        (qvseg_hbm, segidx_hbm, vcand_hbm),
    ):
        pltpu.sync_copy(idx_hbm.at[wid], idx_v)
        for h in range(2):
            cps = [
                pltpu.async_copy(table.at[idx_v.at[h * (ICH // 2) + j]],
                                 rows_v.at[pl.ds(j * 128, 128)], sem)
                for j in range(ICH // 2)
            ]
            for c in cps:
                c.wait()
            pltpu.sync_copy(rows_v, out_hbm.at[pl.ds(base + h * HB, HB)])


def _final_body(dc_ref, vc_ref, asum_ref, out_ref, dscr):
    qi = pl.program_id(0)

    @pl.when(qi == 0)
    def _():
        out_ref[0, 0] = 0.0

    dscr[...] = dc_ref[...]
    colio = lax.broadcasted_iota(jnp.int32, (QT, CW), 1)

    def step(k, acc):
        dmat = dscr[...]
        vmat = vc_ref[...]
        mn = jnp.min(dmat, axis=1, keepdims=True)
        ii = jnp.min(jnp.where(dmat == mn, colio, CW), axis=1, keepdims=True)
        sel = colio == ii
        val = jnp.sum(jnp.where(sel, vmat, 0.0), axis=1, keepdims=True)
        dscr[...] = jnp.where(sel, BIG, dmat)
        return acc + (1.0 - mn) * val

    acc = lax.fori_loop(0, KTOP, step, jnp.zeros((QT, 1), jnp.float32))
    out_ref[0, 0] += jnp.sum(acc)

    @pl.when(qi == NQT - 1)
    def _():
        out_ref[0, 0] = out_ref[0, 0] / asum_ref[0, 0]


def _combine(dcand, vcand, asum):
    return pl.pallas_call(
        _final_body,
        grid=(NQT,),
        in_specs=[
            pl.BlockSpec((QT, CW), lambda qi: (qi, 0)),
            pl.BlockSpec((QT, CW), lambda qi: (qi, 0)),
            pl.BlockSpec((1, 1), lambda qi: (0, 0),
                         memory_space=pltpu.SMEM),
        ],
        out_specs=pl.BlockSpec((1, 1), lambda qi: (0, 0),
                               memory_space=pltpu.SMEM),
        out_shape=jax.ShapeDtypeStruct((1, 1), jnp.float32),
        scratch_shapes=[pltpu.VMEM((QT, CW), jnp.float32)],
    )(dcand, vcand, asum)


def kernel(state, embeddings, q_values, learning):
    qv_seg = jnp.pad(q_values, (0, NPAD - N)).reshape(NSEG, SEG)
    d, segmin3, asum = _distances(state, embeddings)
    segmin = segmin3.transpose(1, 0, 2).reshape(QN, NSEG)
    rowidx, segidx = _select(segmin)
    dcand, vcand = _sc_gather(
        d.reshape(QN * NSEG, SEG), qv_seg,
        rowidx.reshape(NW, ICH, 128), segidx.reshape(NW, ICH, 128))
    out = _combine(dcand.reshape(QN, CW), vcand.reshape(QN, CW), asum)
    return out[0, 0] + jnp.asarray(learning, jnp.float32) * 0.0

# --- scband reference (transcript-rebuilt; emitter-appended) ---
"""Pipeline reference for scband-differentiable-neural-dictionary-88381837017632 (READ-ONLY COPY).

The authoritative reference and input builder live on the scoring server;
editing this copy changes nothing except your own understanding.
"""

import jax, jax.numpy as jnp
import numpy as np

SIZE = 100000
KEY_SIZE = 128
K = 32
Q = 1024


def setup_inputs(seed: int = 0) -> dict:
    key = jax.random.key(seed)
    k1, k2, k3 = jax.random.split(key, 3)
    state = jax.random.normal(k1, (Q, KEY_SIZE), dtype=jnp.float32)
    # learned/stored dictionary state (embeddings = keys, q_values = stored values)
    embeddings = jax.random.normal(k2, (SIZE, KEY_SIZE), dtype=jnp.float32)
    q_values = jax.random.normal(k3, (SIZE,), dtype=jnp.float32)
    return {"state": state, "embeddings": embeddings, "q_values": q_values, "learning": False}


def _pairwise_euclidean(state, embeddings):
    # KDTree(metric='euclidean').query equivalent: full distance matrix [Q, SIZE]
    q2 = jnp.sum(state * state, axis=1, keepdims=True)
    e2 = jnp.sum(embeddings * embeddings, axis=1)[None, :]
    d2 = q2 + e2 - 2.0 * (state @ embeddings.T)
    return jnp.sqrt(jnp.clip(d2, 1e-12, None))


def reference(state, embeddings, q_values, learning=False):
    # lookup: k nearest neighbours by euclidean distance (dictionary assumed full: current_size == max_size)
    d_all = _pairwise_euclidean(state, embeddings)  # tree.query(state, k=current_size) distances
    neg_topk, idx = jax.lax.top_k(-d_all, K)        # smallest-K distances
    d_k = -neg_topk                                  # [Q, K] nearest distances
    sim = 1.0 - d_k                                  # lookup returns (1 - d, idx, q_values[idx])
    values = q_values[idx]                           # [Q, K]
    # calculate_weights: w = distances / np.sum(all_distances)  (scalar sum over full distance array)
    all_sum = jnp.sum(d_all)
    w = sim / all_sum
    out = jnp.sum(w * values)                        # torch.sum(w * values)
    out = out + jnp.asarray(learning, out.dtype) * 0.0
    return out

if __name__ == "__main__":
    import jax
    _d = setup_inputs()
    print(jax.jit(kernel)(*tuple(_d.values())))

</pallas_src>

<mosaic_0001>
#map = affine_map<(d0, d1) -> (0, 0)>
#map1 = affine_map<(d0, d1) -> (0, 0, 0)>
module attributes {stable_mosaic.version = 14 : i64} {
  func.func @_sc_gather(%arg0: i32, %arg1: i32, %arg2: memref<802816x128xf32, #tpu.memory_space<hbm>>, %arg3: memref<784x128xf32, #tpu.memory_space<hbm>>, %arg4: memref<32x8x128xi32, #tpu.memory_space<hbm>>, %arg5: memref<32x8x128xi32, #tpu.memory_space<hbm>>, %arg6: memref<32768x128xf32, #tpu.memory_space<hbm>>, %arg7: memref<32768x128xf32, #tpu.memory_space<hbm>>, %arg8: memref<8x128xi32, #tpu.memory_space<vmem>>, %arg9: memref<512x128xf32, #tpu.memory_space<vmem>>, %arg10: memref<!tpu.dma_semaphore, #tpu.memory_space<semaphore_mem>>) attributes {dimension_semantics = [#tpu.dimension_semantics<core_parallel>, #tpu.dimension_semantics<subcore_parallel>], iteration_bounds = array<i64: 2, 16>, scalar_prefetch = 0 : i64, scratch_operands = 3 : i64, tpu.core_type = #tpu.core_type<sc_vector_subcore>, window_params = [{transform_indices = #map}, {transform_indices = #map}, {transform_indices = #map1}, {transform_indices = #map1}, {transform_indices = #map}, {transform_indices = #map}]} {
    %mul3A = arith.constant 2 : i32
    %mul3A_0 = arith.muli %arg1, %mul3A : i32
    %add3A = arith.addi %mul3A_0, %arg0 : i32
    %mul3A_1 = arith.constant 1024 : i32
    %mul3A_2 = arith.muli %add3A, %mul3A_1 : i32
    "tpu.region"() ({
      %run_scoped3A = tpu.sem_alloc : memref<!tpu.dma_semaphore, #tpu.memory_space<semaphore_mem>>
      %dma_start3A_329 = arith.constant 0 : i32
      %dma_start3A_330 = arith.constant 0 : i32
      %dma_start3A_331 = tpu.memref_slice %arg4[%add3A, %dma_start3A_329, %dma_start3A_330] : memref<32x8x128xi32, #tpu.memory_space<hbm>> -> memref<1x8x128xi32, #tpu.memory_space<hbm>>
      %dma_start3A_332 = tpu.memref_squeeze %dma_start3A_331 : memref<1x8x128xi32, #tpu.memory_space<hbm>> -> memref<8x128xi32, #tpu.memory_space<hbm>>
      %dma_start3A_333 = arith.constant 0 : i32
      %dma_start3A_334 = arith.constant 0 : i32
      %dma_start3A_335 = tpu.memref_slice %arg4[%add3A, %dma_start3A_333, %dma_start3A_334] : memref<32x8x128xi32, #tpu.memory_space<hbm>> -> memref<1x8x128xi32, #tpu.memory_space<hbm>>
      %dma_start3A_336 = tpu.memref_squeeze %dma_start3A_335 : memref<1x8x128xi32, #tpu.memory_space<hbm>> -> memref<8x128xi32, #tpu.memory_space<hbm>>
      tpu.enqueue_dma source(%dma_start3A_336 : memref<8x128xi32, #tpu.memory_space<hbm>>) target(%arg8 : memref<8x128xi32, #tpu.memory_space<vmem>>) target_semaphore(%run_scoped3A : memref<!tpu.dma_semaphore, #tpu.memory_space<semaphore_mem>>)
      %dma_wait3A_337 = arith.constant 0 : i32
      %dma_wait3A_338 = arith.constant 0 : i32
      %dma_wait3A_339 = tpu.memref_slice %arg4[%add3A, %dma_wait3A_337, %dma_wait3A_338] : memref<32x8x128xi32, #tpu.memory_space<hbm>> -> memref<1x8x128xi32, #tpu.memory_space<hbm>>
      %dma_wait3A_340 = tpu.memref_squeeze %dma_wait3A_339 : memref<1x8x128xi32, #tpu.memory_space<hbm>> -> memref<8x128xi32, #tpu.memory_space<hbm>>
      %dma_wait3A_341 = arith.constant 0 : i32
      %dma_wait3A_342 = arith.constant 0 : i32
      %dma_wait3A_343 = tpu.memref_slice %arg4[%add3A, %dma_wait3A_341, %dma_wait3A_342] : memref<32x8x128xi32, #tpu.memory_space<hbm>> -> memref<1x8x128xi32, #tpu.memory_space<hbm>>
      %dma_wait3A_344 = tpu.memref_squeeze %dma_wait3A_343 : memref<1x8x128xi32, #tpu.memory_space<hbm>> -> memref<8x128xi32, #tpu.memory_space<hbm>>
      tpu.wait_dma2 semaphore(%run_scoped3A : memref<!tpu.dma_semaphore, #tpu.memory_space<semaphore_mem>>) src(%dma_wait3A_344 : memref<8x128xi32, #tpu.memory_space<hbm>>) dst(%arg8 : memref<8x128xi32, #tpu.memory_space<vmem>>)
      tpu.yield
    }) : () -> ()
    %dma_start3A = arith.constant 0 : i32
    %dma_start3A_3 = arith.constant 0 : i32
    %dma_start3A_4 = arith.constant 0 : i32
    %dma_start3A_5 = tpu.memref_slice %arg9[%dma_start3A_3, %dma_start3A_4] : memref<512x128xf32, #tpu.memory_space<vmem>> -> memref<128x128xf32, #tpu.memory_space<vmem>>
    %dma_start3A_6 = arith.constant 0 : i32
    %dma_start3A_7 = tpu.memref_slice %arg8[%dma_start3A, %dma_start3A_6] : memref<8x128xi32, #tpu.memory_space<vmem>> -> memref<1x128xi32, #tpu.memory_space<vmem>>
    %dma_start3A_8 = tpu.memref_squeeze %dma_start3A_7 : memref<1x128xi32, #tpu.memory_space<vmem>> -> memref<128xi32, #tpu.memory_space<vmem>>
    %dma_start3A_9 = arith.constant 0 : i32
    %dma_start3A_10 = arith.constant 0 : i32
    %dma_start3A_11 = tpu.memref_slice %arg2[%dma_start3A_9, %dma_start3A_10] : memref<802816x128xf32, #tpu.memory_space<hbm>> -> memref<802816x128xf32, #tpu.memory_space<hbm>>
    tpu.enqueue_indirect_dma source(%dma_start3A_11 : memref<802816x128xf32, #tpu.memory_space<hbm>>) target(%dma_start3A_5 : memref<128x128xf32, #tpu.memory_space<vmem>>) offsets(%dma_start3A_8 : memref<128xi32, #tpu.memory_space<vmem>>) semaphore(%arg10 : memref<!tpu.dma_semaphore, #tpu.memory_space<semaphore_mem>>)
    %dma_start3A_12 = arith.constant 1 : i32
    %dma_start3A_13 = arith.constant 128 : i32
    %dma_start3A_14 = arith.constant 0 : i32
    %dma_start3A_15 = tpu.memref_slice %arg9[%dma_start3A_13, %dma_start3A_14] : memref<512x128xf32, #tpu.memory_space<vmem>> -> memref<128x128xf32, #tpu.memory_space<vmem>>
    %dma_start3A_16 = arith.constant 0 : i32
    %dma_start3A_17 = tpu.memref_slice %arg8[%dma_start3A_12, %dma_start3A_16] : memref<8x128xi32, #tpu.memory_space<vmem>> -> memref<1x128xi32, #tpu.memory_space<vmem>>
    %dma_start3A_18 = tpu.memref_squeeze %dma_start3A_17 : memref<1x128xi32, #tpu.memory_space<vmem>> -> memref<128xi32, #tpu.memory_space<vmem>>
    %dma_start3A_19 = arith.constant 0 : i32
    %dma_start3A_20 = arith.constant 0 : i32
    %dma_start3A_21 = tpu.memref_slice %arg2[%dma_start3A_19, %dma_start3A_20] : memref<802816x128xf32, #tpu.memory_space<hbm>> -> memref<802816x128xf32, #tpu.memory_space<hbm>>
    tpu.enqueue_indirect_dma source(%dma_start3A_21 : memref<802816x128xf32, #tpu.memory_space<hbm>>) target(%dma_start3A_15 : memref<128x128xf32, #tpu.memory_space<vmem>>) offsets(%dma_start3A_18 : memref<128xi32, #tpu.memory_space<vmem>>) semaphore(%arg10 : memref<!tpu.dma_semaphore, #tpu.memory_space<semaphore_mem>>)
    %dma_start3A_22 = arith.constant 2 : i32
    %dma_start3A_23 = arith.constant 256 : i32
    %dma_start3A_24 = arith.constant 0 : i32
    %dma_start3A_25 = tpu.memref_slice %arg9[%dma_start3A_23, %dma_start3A_24] : memref<512x128xf32, #tpu.memory_space<vmem>> -> memref<128x128xf32, #tpu.memory_space<vmem>>
    %dma_start3A_26 = arith.constant 0 : i32
    %dma_start3A_27 = tpu.memref_slice %arg8[%dma_start3A_22, %dma_start3A_26] : memref<8x128xi32, #tpu.memory_space<vmem>> -> memref<1x128xi32, #tpu.memory_space<vmem>>
    %dma_start3A_28 = tpu.memref_squeeze %dma_start3A_27 : memref<1x128xi32, #tpu.memory_space<vmem>> -> memref<128xi32, #tpu.memory_space<vmem>>
    %dma_start3A_29 = arith.constant 0 : i32
    %dma_start3A_30 = arith.constant 0 : i32
    %dma_start3A_31 = tpu.memref_slice %arg2[%dma_start3A_29, %dma_start3A_30] : memref<802816x128xf32, #tpu.memory_space<hbm>> -> memref<802816x128xf32, #tpu.memory_space<hbm>>
    tpu.enqueue_indirect_dma source(%dma_start3A_31 : memref<802816x128xf32, #tpu.memory_space<hbm>>) target(%dma_start3A_25 : memref<128x128xf32, #tpu.memory_space<vmem>>) offsets(%dma_start3A_28 : memref<128xi32, #tpu.memory_space<vmem>>) semaphore(%arg10 : memref<!tpu.dma_semaphore, #tpu.memory_space<semaphore_mem>>)
    %dma_start3A_32 = arith.constant 3 : i32
    %dma_start3A_33 = arith.constant 384 : i32
    %dma_start3A_34 = arith.constant 0 : i32
    %dma_start3A_35 = tpu.memref_slice %arg9[%dma_start3A_33, %dma_start3A_34] : memref<512x128xf32, #tpu.memory_space<vmem>> -> memref<128x128xf32, #tpu.memory_space<vmem>>
    %dma_start3A_36 = arith.constant 0 : i32
    %dma_start3A_37 = tpu.memref_slice %arg8[%dma_start3A_32, %dma_start3A_36] : memref<8x128xi32, #tpu.memory_space<vmem>> -> memref<1x128xi32, #tpu.memory_space<vmem>>
    %dma_start3A_38 = tpu.memref_squeeze %dma_start3A_37 : memref<1x128xi32, #tpu.memory_space<vmem>> -> memref<128xi32, #tpu.memory_space<vmem>>
    %dma_start3A_39 = arith.constant 0 : i32
    %dma_start3A_40 = arith.constant 0 : i32
    %dma_start3A_41 = tpu.memref_slice %arg2[%dma_start3A_39, %dma_start3A_40] : memref<802816x128xf32, #tpu.memory_space<hbm>> -> memref<802816x128xf32, #tpu.memory_space<hbm>>
    tpu.enqueue_indirect_dma source(%dma_start3A_41 : memref<802816x128xf32, #tpu.memory_space<hbm>>) target(%dma_start3A_35 : memref<128x128xf32, #tpu.memory_space<vmem>>) offsets(%dma_start3A_38 : memref<128xi32, #tpu.memory_space<vmem>>) semaphore(%arg10 : memref<!tpu.dma_semaphore, #tpu.memory_space<semaphore_mem>>)
    %dma_wait3A = arith.constant 0 : i32
    %dma_wait3A_42 = arith.constant 0 : i32
    %dma_wait3A_43 = arith.constant 0 : i32
    %dma_wait3A_44 = tpu.memref_slice %arg9[%dma_wait3A_42, %dma_wait3A_43] : memref<512x128xf32, #tpu.memory_space<vmem>> -> memref<128x128xf32, #tpu.memory_space<vmem>>
    %dma_wait3A_45 = arith.constant 0 : i32
    %dma_wait3A_46 = tpu.memref_slice %arg8[%dma_wait3A, %dma_wait3A_45] : memref<8x128xi32, #tpu.memory_space<vmem>> -> memref<1x128xi32, #tpu.memory_space<vmem>>
    %dma_wait3A_47 = tpu.memref_squeeze %dma_wait3A_46 : memref<1x128xi32, #tpu.memory_space<vmem>> -> memref<128xi32, #tpu.memory_space<vmem>>
    %dma_wait3A_48 = arith.constant 0 : i32
    %dma_wait3A_49 = arith.constant 0 : i32
    %dma_wait3A_50 = tpu.memref_slice %arg2[%dma_wait3A_48, %dma_wait3A_49] : memref<802816x128xf32, #tpu.memory_space<hbm>> -> memref<802816x128xf32, #tpu.memory_space<hbm>>
    tpu.wait_indirect_dma semaphore(%arg10 : memref<!tpu.dma_semaphore, #tpu.memory_space<semaphore_mem>>) src(%dma_wait3A_50 : memref<802816x128xf32, #tpu.memory_space<hbm>>) dst(%dma_wait3A_44 : memref<128x128xf32, #tpu.memory_space<vmem>>)
    %dma_wait3A_51 = arith.constant 1 : i32
    %dma_wait3A_52 = arith.constant 128 : i32
    %dma_wait3A_53 = arith.constant 0 : i32
    %dma_wait3A_54 = tpu.memref_slice %arg9[%dma_wait3A_52, %dma_wait3A_53] : memref<512x128xf32, #tpu.memory_space<vmem>> -> memref<128x128xf32, #tpu.memory_space<vmem>>
    %dma_wait3A_55 = arith.constant 0 : i32
    %dma_wait3A_56 = tpu.memref_slice %arg8[%dma_wait3A_51, %dma_wait3A_55] : memref<8x128xi32, #tpu.memory_space<vmem>> -> memref<1x128xi32, #tpu.memory_space<vmem>>
    %dma_wait3A_57 = tpu.memref_squeeze %dma_wait3A_56 : memref<1x128xi32, #tpu.memory_space<vmem>> -> memref<128xi32, #tpu.memory_space<vmem>>
    %dma_wait3A_58 = arith.constant 0 : i32
    %dma_wait3A_59 = arith.constant 0 : i32
    %dma_wait3A_60 = tpu.memref_slice %arg2[%dma_wait3A_58, %dma_wait3A_59] : memref<802816x128xf32, #tpu.memory_space<hbm>> -> memref<802816x128xf32, #tpu.memory_space<hbm>>
    tpu.wait_indirect_dma semaphore(%arg10 : memref<!tpu.dma_semaphore, #tpu.memory_space<semaphore_mem>>) src(%dma_wait3A_60 : memref<802816x128xf32, #tpu.memory_space<hbm>>) dst(%dma_wait3A_54 : memref<128x128xf32, #tpu.memory_space<vmem>>)
    %dma_wait3A_61 = arith.constant 2 : i32
    %dma_wait3A_62 = arith.constant 256 : i32
    %dma_wait3A_63 = arith.constant 0 : i32
    %dma_wait3A_64 = tpu.memref_slice %arg9[%dma_wait3A_62, %dma_wait3A_63] : memref<512x128xf32, #tpu.memory_space<vmem>> -> memref<128x128xf32, #tpu.memory_space<vmem>>
    %dma_wait3A_65 = arith.constant 0 : i32
    %dma_wait3A_66 = tpu.memref_slice %arg8[%dma_wait3A_61, %dma_wait3A_65] : memref<8x128xi32, #tpu.memory_space<vmem>> -> memref<1x128xi32, #tpu.memory_space<vmem>>
    %dma_wait3A_67 = tpu.memref_squeeze %dma_wait3A_66 : memref<1x128xi32, #tpu.memory_space<vmem>> -> memref<128xi32, #tpu.memory_space<vmem>>
    %dma_wait3A_68 = arith.constant 0 : i32
    %dma_wait3A_69 = arith.constant 0 : i32
    %dma_wait3A_70 = tpu.memref_slice %arg2[%dma_wait3A_68, %dma_wait3A_69] : memref<802816x128xf32, #tpu.memory_space<hbm>> -> memref<802816x128xf32, #tpu.memory_space<hbm>>
    tpu.wait_indirect_dma semaphore(%arg10 : memref<!tpu.dma_semaphore, #tpu.memory_space<semaphore_mem>>) src(%dma_wait3A_70 : memref<802816x128xf32, #tpu.memory_space<hbm>>) dst(%dma_wait3A_64 : memref<128x128xf32, #tpu.memory_space<vmem>>)
    %dma_wait3A_71 = arith.constant 3 : i32
    %dma_wait3A_72 = arith.constant 384 : i32
    %dma_wait3A_73 = arith.constant 0 : i32
    %dma_wait3A_74 = tpu.memref_slice %arg9[%dma_wait3A_72, %dma_wait3A_73] : memref<512x128xf32, #tpu.memory_space<vmem>> -> memref<128x128xf32, #tpu.memory_space<vmem>>
    %dma_wait3A_75 = arith.constant 0 : i32
    %dma_wait3A_76 = tpu.memref_slice %arg8[%dma_wait3A_71, %dma_wait3A_75] : memref<8x128xi32, #tpu.memory_space<vmem>> -> memref<1x128xi32, #tpu.memory_space<vmem>>
    %dma_wait3A_77 = tpu.memref_squeeze %dma_wait3A_76 : memref<1x128xi32, #tpu.memory_space<vmem>> -> memref<128xi32, #tpu.memory_space<vmem>>
    %dma_wait3A_78 = arith.constant 0 : i32
    %dma_wait3A_79 = arith.constant 0 : i32
    %dma_wait3A_80 = tpu.memref_slice %arg2[%dma_wait3A_78, %dma_wait3A_79] : memref<802816x128xf32, #tpu.memory_space<hbm>> -> memref<802816x128xf32, #tpu.memory_space<hbm>>
    tpu.wait_indirect_dma semaphore(%arg10 : memref<!tpu.dma_semaphore, #tpu.memory_space<semaphore_mem>>) src(%dma_wait3A_80 : memref<802816x128xf32, #tpu.memory_space<hbm>>) dst(%dma_wait3A_74 : memref<128x128xf32, #tpu.memory_space<vmem>>)
    %add3A_81 = arith.constant 0 : i32
    %add3A_82 = arith.addi %mul3A_2, %add3A_81 : i32
    "tpu.region"() ({
      %run_scoped3A = tpu.sem_alloc : memref<!tpu.dma_semaphore, #tpu.memory_space<semaphore_mem>>
      %dma_start3A_329 = arith.constant 0 : i32
      %dma_start3A_330 = tpu.memref_slice %arg6[%add3A_82, %dma_start3A_329] : memref<32768x128xf32, #tpu.memory_space<hbm>> -> memref<512x128xf32, #tpu.memory_space<hbm>>
      %dma_start3A_331 = arith.constant 0 : i32
      %dma_start3A_332 = tpu.memref_slice %arg6[%add3A_82, %dma_start3A_331] : memref<32768x128xf32, #tpu.memory_space<hbm>> -> memref<512x128xf32, #tpu.memory_space<hbm>>
      tpu.enqueue_dma source(%arg9 : memref<512x128xf32, #tpu.memory_space<vmem>>) target(%dma_start3A_332 : memref<512x128xf32, #tpu.memory_space<hbm>>) target_semaphore(%run_scoped3A : memref<!tpu.dma_semaphore, #tpu.memory_space<semaphore_mem>>)
      %dma_wait3A_333 = arith.constant 0 : i32
      %dma_wait3A_334 = tpu.memref_slice %arg6[%add3A_82, %dma_wait3A_333] : memref<32768x128xf32, #tpu.memory_space<hbm>> -> memref<512x128xf32, #tpu.memory_space<hbm>>
      %dma_wait3A_335 = arith.constant 0 : i32
      %dma_wait3A_336 = tpu.memref_slice %arg6[%add3A_82, %dma_wait3A_335] : memref<32768x128xf32, #tpu.memory_space<hbm>> -> memref<512x128xf32, #tpu.memory_space<hbm>>
      tpu.wait_dma2 semaphore(%run_scoped3A : memref<!tpu.dma_semaphore, #tpu.memory_space<semaphore_mem>>) src(%arg9 : memref<512x128xf32, #tpu.memory_space<vmem>>) dst(%dma_wait3A_336 : memref<512x128xf32, #tpu.memory_space<hbm>>)
      tpu.yield
    }) : () -> ()
    %dma_start3A_83 = arith.constant 4 : i32
    %dma_start3A_84 = arith.constant 0 : i32
    %dma_start3A_85 = arith.constant 0 : i32
    %dma_start3A_86 = tpu.memref_slice %arg9[%dma_start3A_84, %dma_start3A_85] : memref<512x128xf32, #tpu.memory_space<vmem>> -> memref<128x128xf32, #tpu.memory_space<vmem>>
    %dma_start3A_87 = arith.constant 0 : i32
    %dma_start3A_88 = tpu.memref_slice %arg8[%dma_start3A_83, %dma_start3A_87] : memref<8x128xi32, #tpu.memory_space<vmem>> -> memref<1x128xi32, #tpu.memory_space<vmem>>
    %dma_start3A_89 = tpu.memref_squeeze %dma_start3A_88 : memref<1x128xi32, #tpu.memory_space<vmem>> -> memref<128xi32, #tpu.memory_space<vmem>>
    %dma_start3A_90 = arith.constant 0 : i32
    %dma_start3A_91 = arith.constant 0 : i32
    %dma_start3A_92 = tpu.memref_slice %arg2[%dma_start3A_90, %dma_start3A_91] : memref<802816x128xf32, #tpu.memory_space<hbm>> -> memref<802816x128xf32, #tpu.memory_space<hbm>>
    tpu.enqueue_indirect_dma source(%dma_start3A_92 : memref<802816x128xf32, #tpu.memory_space<hbm>>) target(%dma_start3A_86 : memref<128x128xf32, #tpu.memory_space<vmem>>) offsets(%dma_start3A_89 : memref<128xi32, #tpu.memory_space<vmem>>) semaphore(%arg10 : memref<!tpu.dma_semaphore, #tpu.memory_space<semaphore_mem>>)
    %dma_start3A_93 = arith.constant 5 : i32
    %dma_start3A_94 = arith.constant 128 : i32
    %dma_start3A_95 = arith.constant 0 : i32
    %dma_start3A_96 = tpu.memref_slice %arg9[%dma_start3A_94, %dma_start3A_95] : memref<512x128xf32, #tpu.memory_space<vmem>> -> memref<128x128xf32, #tpu.memory_space<vmem>>
    %dma_start3A_97 = arith.constant 0 : i32
    %dma_start3A_98 = tpu.memref_slice %arg8[%dma_start3A_93, %dma_start3A_97] : memref<8x128xi32, #tpu.memory_space<vmem>> -> memref<1x128xi32, #tpu.memory_space<vmem>>
    %dma_start3A_99 = tpu.memref_squeeze %dma_start3A_98 : memref<1x128xi32, #tpu.memory_space<vmem>> -> memref<128xi32, #tpu.memory_space<vmem>>
    %dma_start3A_100 = arith.constant 0 : i32
    %dma_start3A_101 = arith.constant 0 : i32
    %dma_start3A_102 = tpu.memref_slice %arg2[%dma_start3A_100, %dma_start3A_101] : memref<802816x128xf32, #tpu.memory_space<hbm>> -> memref<802816x128xf32, #tpu.memory_space<hbm>>
    tpu.enqueue_indirect_dma source(%dma_start3A_102 : memref<802816x128xf32, #tpu.memory_space<hbm>>) target(%dma_start3A_96 : memref<128x128xf32, #tpu.memory_space<vmem>>) offsets(%dma_start3A_99 : memref<128xi32, #tpu.memory_space<vmem>>) semaphore(%arg10 : memref<!tpu.dma_semaphore, #tpu.memory_space<semaphore_mem>>)
    %dma_start3A_103 = arith.constant 6 : i32
    %dma_start3A_104 = arith.constant 256 : i32
    %dma_start3A_105 = arith.constant 0 : i32
    %dma_start3A_106 = tpu.memref_slice %arg9[%dma_start3A_104, %dma_start3A_105] : memref<512x128xf32, #tpu.memory_space<vmem>> -> memref<128x128xf32, #tpu.memory_space<vmem>>
    %dma_start3A_107 = arith.constant 0 : i32
    %dma_start3A_108 = tpu.memref_slice %arg8[%dma_start3A_103, %dma_start3A_107] : memref<8x128xi32, #tpu.memory_space<vmem>> -> memref<1x128xi32, #tpu.memory_space<vmem>>
    %dma_start3A_109 = tpu.memref_squeeze %dma_start3A_108 : memref<1x128xi32, #tpu.memory_space<vmem>> -> memref<128xi32, #tpu.memory_space<vmem>>
    %dma_start3A_110 = arith.constant 0 : i32
    %dma_start3A_111 = arith.constant 0 : i32
    %dma_start3A_112 = tpu.memref_slice %arg2[%dma_start3A_110, %dma_start3A_111] : memref<802816x128xf32, #tpu.memory_space<hbm>> -> memref<802816x128xf32, #tpu.memory_space<hbm>>
    tpu.enqueue_indirect_dma source(%dma_start3A_112 : memref<802816x128xf32, #tpu.memory_space<hbm>>) target(%dma_start3A_106 : memref<128x128xf32, #tpu.memory_space<vmem>>) offsets(%dma_start3A_109 : memref<128xi32, #tpu.memory_space<vmem>>) semaphore(%arg10 : memref<!tpu.dma_semaphore, #tpu.memory_space<semaphore_mem>>)
    %dma_start3A_113 = arith.constant 7 : i32
    %dma_start3A_114 = arith.constant 384 : i32
    %dma_start3A_115 = arith.constant 0 : i32
    %dma_start3A_116 = tpu.memref_slice %arg9[%dma_start3A_114, %dma_start3A_115] : memref<512x128xf32, #tpu.memory_space<vmem>> -> memref<128x128xf32, #tpu.memory_space<vmem>>
    %dma_start3A_117 = arith.constant 0 : i32
    %dma_start3A_118 = tpu.memref_slice %arg8[%dma_start3A_113, %dma_start3A_117] : memref<8x128xi32, #tpu.memory_space<vmem>> -> memref<1x128xi32, #tpu.memory_space<vmem>>
    %dma_start3A_119 = tpu.memref_squeeze %dma_start3A_118 : memref<1x128xi32, #tpu.memory_space<vmem>> -> memref<128xi32, #tpu.memory_space<vmem>>
    %dma_start3A_120 = arith.constant 0 : i32
    %dma_start3A_121 = arith.constant 0 : i32
    %dma_start3A_122 = tpu.memref_slice %arg2[%dma_start3A_120, %dma_start3A_121] : memref<802816x128xf32, #tpu.memory_space<hbm>> -> memref<802816x128xf32, #tpu.memory_space<hbm>>
    tpu.enqueue_indirect_dma source(%dma_start3A_122 : memref<802816x128xf32, #tpu.memory_space<hbm>>) target(%dma_start3A_116 : memref<128x128xf32, #tpu.memory_space<vmem>>) offsets(%dma_start3A_119 : memref<128xi32, #tpu.memory_space<vmem>>) semaphore(%arg10 : memref<!tpu.dma_semaphore, #tpu.memory_space<semaphore_mem>>)
    %dma_wait3A_123 = arith.constant 4 : i32
    %dma_wait3A_124 = arith.constant 0 : i32
    %dma_wait3A_125 = arith.constant 0 : i32
    %dma_wait3A_126 = tpu.memref_slice %arg9[%dma_wait3A_124, %dma_wait3A_125] : memref<512x128xf32, #tpu.memory_space<vmem>> -> memref<128x128xf32, #tpu.memory_space<vmem>>
    %dma_wait3A_127 = arith.constant 0 : i32
    %dma_wait3A_128 = tpu.memref_slice %arg8[%dma_wait3A_123, %dma_wait3A_127] : memref<8x128xi32, #tpu.memory_space<vmem>> -> memref<1x128xi32, #tpu.memory_space<vmem>>
    %dma_wait3A_129 = tpu.memref_squeeze %dma_wait3A_128 : memref<1x128xi32, #tpu.memory_space<vmem>> -> memref<128xi32, #tpu.memory_space<vmem>>
    %dma_wait3A_130 = arith.constant 0 : i32
    %dma_wait3A_131 = arith.constant 0 : i32
    %dma_wait3A_132 = tpu.memref_slice %arg2[%dma_wait3A_130, %dma_wait3A_131] : memref<802816x128xf32, #tpu.memory_space<hbm>> -> memref<802816x128xf32, #tpu.memory_space<hbm>>
    tpu.wait_indirect_dma semaphore(%arg10 : memref<!tpu.dma_semaphore, #tpu.memory_space<semaphore_mem>>) src(%dma_wait3A_132 : memref<802816x128xf32, #tpu.memory_space<hbm>>) dst(%dma_wait3A_126 : memref<128x128xf32, #tpu.memory_space<vmem>>)
    %dma_wait3A_133 = arith.constant 5 : i32
    %dma_wait3A_134 = arith.constant 128 : i32
    %dma_wait3A_135 = arith.constant 0 : i32
    %dma_wait3A_136 = tpu.memref_slice %arg9[%dma_wait3A_134, %dma_wait3A_135] : memref<512x128xf32, #tpu.memory_space<vmem>> -> memref<128x128xf32, #tpu.memory_space<vmem>>
    %dma_wait3A_137 = arith.constant 0 : i32
    %dma_wait3A_138 = tpu.memref_slice %arg8[%dma_wait3A_133, %dma_wait3A_137] : memref<8x128xi32, #tpu.memory_space<vmem>> -> memref<1x128xi32, #tpu.memory_space<vmem>>
    %dma_wait3A_139 = tpu.memref_squeeze %dma_wait3A_138 : memref<1x128xi32, #tpu.memory_space<vmem>> -> memref<128xi32, #tpu.memory_space<vmem>>
    %dma_wait3A_140 = arith.constant 0 : i32
    %dma_wait3A_141 = arith.constant 0 : i32
    %dma_wait3A_142 = tpu.memref_slice %arg2[%dma_wait3A_140, %dma_wait3A_141] : memref<802816x128xf32, #tpu.memory_space<hbm>> -> memref<802816x128xf32, #tpu.memory_space<hbm>>
    tpu.wait_indirect_dma semaphore(%arg10 : memref<!tpu.dma_semaphore, #tpu.memory_space<semaphore_mem>>) src(%dma_wait3A_142 : memref<802816x128xf32, #tpu.memory_space<hbm>>) dst(%dma_wait3A_136 : memref<128x128xf32, #tpu.memory_space<vmem>>)
    %dma_wait3A_143 = arith.constant 6 : i32
    %dma_wait3A_144 = arith.constant 256 : i32
    %dma_wait3A_145 = arith.constant 0 : i32
    %dma_wait3A_146 = tpu.memref_slice %arg9[%dma_wait3A_144, %dma_wait3A_145] : memref<512x128xf32, #tpu.memory_space<vmem>> -> memref<128x128xf32, #tpu.memory_space<vmem>>
    %dma_wait3A_147 = arith.constant 0 : i32
    %dma_wait3A_148 = tpu.memref_slice %arg8[%dma_wait3A_143, %dma_wait3A_147] : memref<8x128xi32, #tpu.memory_space<vmem>> -> memref<1x128xi32, #tpu.memory_space<vmem>>
    %dma_wait3A_149 = tpu.memref_squeeze %dma_wait3A_148 : memref<1x128xi32, #tpu.memory_space<vmem>> -> memref<128xi32, #tpu.memory_space<vmem>>
    %dma_wait3A_150 = arith.constant 0 : i32
    %dma_wait3A_151 = arith.constant 0 : i32
    %dma_wait3A_152 = tpu.memref_slice %arg2[%dma_wait3A_150, %dma_wait3A_151] : memref<802816x128xf32, #tpu.memory_space<hbm>> -> memref<802816x128xf32, #tpu.memory_space<hbm>>
    tpu.wait_indirect_dma semaphore(%arg10 : memref<!tpu.dma_semaphore, #tpu.memory_space<semaphore_mem>>) src(%dma_wait3A_152 : memref<802816x128xf32, #tpu.memory_space<hbm>>) dst(%dma_wait3A_146 : memref<128x128xf32, #tpu.memory_space<vmem>>)
    %dma_wait3A_153 = arith.constant 7 : i32
    %dma_wait3A_154 = arith.constant 384 : i32
    %dma_wait3A_155 = arith.constant 0 : i32
    %dma_wait3A_156 = tpu.memref_slice %arg9[%dma_wait3A_154, %dma_wait3A_155] : memref<512x128xf32, #tpu.memory_space<vmem>> -> memref<128x128xf32, #tpu.memory_space<vmem>>
    %dma_wait3A_157 = arith.constant 0 : i32
    %dma_wait3A_158 = tpu.memref_slice %arg8[%dma_wait3A_153, %dma_wait3A_157] : memref<8x128xi32, #tpu.memory_space<vmem>> -> memref<1x128xi32, #tpu.memory_space<vmem>>
    %dma_wait3A_159 = tpu.memref_squeeze %dma_wait3A_158 : memref<1x128xi32, #tpu.memory_space<vmem>> -> memref<128xi32, #tpu.memory_space<vmem>>
    %dma_wait3A_160 = arith.constant 0 : i32
    %dma_wait3A_161 = arith.constant 0 : i32
    %dma_wait3A_162 = tpu.memref_slice %arg2[%dma_wait3A_160, %dma_wait3A_161] : memref<802816x128xf32, #tpu.memory_space<hbm>> -> memref<802816x128xf32, #tpu.memory_space<hbm>>
    tpu.wait_indirect_dma semaphore(%arg10 : memref<!tpu.dma_semaphore, #tpu.memory_space<semaphore_mem>>) src(%dma_wait3A_162 : memref<802816x128xf32, #tpu.memory_space<hbm>>) dst(%dma_wait3A_156 : memref<128x128xf32, #tpu.memory_space<vmem>>)
    %add3A_163 = arith.constant 512 : i32
    %add3A_164 = arith.addi %mul3A_2, %add3A_163 : i32
    "tpu.region"() ({
      %run_scoped3A = tpu.sem_alloc : memref<!tpu.dma_semaphore, #tpu.memory_space<semaphore_mem>>
      %dma_start3A_329 = arith.constant 0 : i32
      %dma_start3A_330 = tpu.memref_slice %arg6[%add3A_164, %dma_start3A_329] : memref<32768x128xf32, #tpu.memory_space<hbm>> -> memref<512x128xf32, #tpu.memory_space<hbm>>
      %dma_start3A_331 = arith.constant 0 : i32
      %dma_start3A_332 = tpu.memref_slice %arg6[%add3A_164, %dma_start3A_331] : memref<32768x128xf32, #tpu.memory_space<hbm>> -> memref<512x128xf32, #tpu.memory_space<hbm>>
      tpu.enqueue_dma source(%arg9 : memref<512x128xf32, #tpu.memory_space<vmem>>) target(%dma_start3A_332 : memref<512x128xf32, #tpu.memory_space<hbm>>) target_semaphore(%run_scoped3A : memref<!tpu.dma_semaphore, #tpu.memory_space<semaphore_mem>>)
      %dma_wait3A_333 = arith.constant 0 : i32
      %dma_wait3A_334 = tpu.memref_slice %arg6[%add3A_164, %dma_wait3A_333] : memref<32768x128xf32, #tpu.memory_space<hbm>> -> memref<512x128xf32, #tpu.memory_space<hbm>>
      %dma_wait3A_335 = arith.constant 0 : i32
      %dma_wait3A_336 = tpu.memref_slice %arg6[%add3A_164, %dma_wait3A_335] : memref<32768x128xf32, #tpu.memory_space<hbm>> -> memref<512x128xf32, #tpu.memory_space<hbm>>
      tpu.wait_dma2 semaphore(%run_scoped3A : memref<!tpu.dma_semaphore, #tpu.memory_space<semaphore_mem>>) src(%arg9 : memref<512x128xf32, #tpu.memory_space<vmem>>) dst(%dma_wait3A_336 : memref<512x128xf32, #tpu.memory_space<hbm>>)
      tpu.yield
    }) : () -> ()
    "tpu.region"() ({
      %run_scoped3A = tpu.sem_alloc : memref<!tpu.dma_semaphore, #tpu.memory_space<semaphore_mem>>
      %dma_start3A_329 = arith.constant 0 : i32
      %dma_start3A_330 = arith.constant 0 : i32
      %dma_start3A_331 = tpu.memref_slice %arg5[%add3A, %dma_start3A_329, %dma_start3A_330] : memref<32x8x128xi32, #tpu.memory_space<hbm>> -> memref<1x8x128xi32, #tpu.memory_space<hbm>>
      %dma_start3A_332 = tpu.memref_squeeze %dma_start3A_331 : memref<1x8x128xi32, #tpu.memory_space<hbm>> -> memref<8x128xi32, #tpu.memory_space<hbm>>
      %dma_start3A_333 = arith.constant 0 : i32
      %dma_start3A_334 = arith.constant 0 : i32
      %dma_start3A_335 = tpu.memref_slice %arg5[%add3A, %dma_start3A_333, %dma_start3A_334] : memref<32x8x128xi32, #tpu.memory_space<hbm>> -> memref<1x8x128xi32, #tpu.memory_space<hbm>>
      %dma_start3A_336 = tpu.memref_squeeze %dma_start3A_335 : memref<1x8x128xi32, #tpu.memory_space<hbm>> -> memref<8x128xi32, #tpu.memory_space<hbm>>
      tpu.enqueue_dma source(%dma_start3A_336 : memref<8x128xi32, #tpu.memory_space<hbm>>) target(%arg8 : memref<8x128xi32, #tpu.memory_space<vmem>>) target_semaphore(%run_scoped3A : memref<!tpu.dma_semaphore, #tpu.memory_space<semaphore_mem>>)
      %dma_wait3A_337 = arith.constant 0 : i32
      %dma_wait3A_338 = arith.constant 0 : i32
      %dma_wait3A_339 = tpu.memref_slice %arg5[%add3A, %dma_wait3A_337, %dma_wait3A_338] : memref<32x8x128xi32, #tpu.memory_space<hbm>> -> memref<1x8x128xi32, #tpu.memory_space<hbm>>
      %dma_wait3A_340 = tpu.memref_squeeze %dma_wait3A_339 : memref<1x8x128xi32, #tpu.memory_space<hbm>> -> memref<8x128xi32, #tpu.memory_space<hbm>>
      %dma_wait3A_341 = arith.constant 0 : i32
      %dma_wait3A_342 = arith.constant 0 : i32
      %dma_wait3A_343 = tpu.memref_slice %arg5[%add3A, %dma_wait3A_341, %dma_wait3A_342] : memref<32x8x128xi32, #tpu.memory_space<hbm>> -> memref<1x8x128xi32, #tpu.memory_space<hbm>>
      %dma_wait3A_344 = tpu.memref_squeeze %dma_wait3A_343 : memref<1x8x128xi32, #tpu.memory_space<hbm>> -> memref<8x128xi32, #tpu.memory_space<hbm>>
      tpu.wait_dma2 semaphore(%run_scoped3A : memref<!tpu.dma_semaphore, #tpu.memory_space<semaphore_mem>>) src(%dma_wait3A_344 : memref<8x128xi32, #tpu.memory_space<hbm>>) dst(%arg8 : memref<8x128xi32, #tpu.memory_space<vmem>>)
      tpu.yield
    }) : () -> ()
    %dma_start3A_165 = arith.constant 0 : i32
    %dma_start3A_166 = arith.constant 0 : i32
    %dma_start3A_167 = arith.constant 0 : i32
    %dma_start3A_168 = tpu.memref_slice %arg9[%dma_start3A_166, %dma_start3A_167] : memref<512x128xf32, #tpu.memory_space<vmem>> -> memref<128x128xf32, #tpu.memory_space<vmem>>
    %dma_start3A_169 = arith.constant 0 : i32
    %dma_start3A_170 = tpu.memref_slice %arg8[%dma_start3A_165, %dma_start3A_169] : memref<8x128xi32, #tpu.memory_space<vmem>> -> memref<1x128xi32, #tpu.memory_space<vmem>>
    %dma_start3A_171 = tpu.memref_squeeze %dma_start3A_170 : memref<1x128xi32, #tpu.memory_space<vmem>> -> memref<128xi32, #tpu.memory_space<vmem>>
    %dma_start3A_172 = arith.constant 0 : i32
    %dma_start3A_173 = arith.constant 0 : i32
    %dma_start3A_174 = tpu.memref_slice %arg3[%dma_start3A_172, %dma_start3A_173] : memref<784x128xf32, #tpu.memory_space<hbm>> -> memref<784x128xf32, #tpu.memory_space<hbm>>
    tpu.enqueue_indirect_dma source(%dma_start3A_174 : memref<784x128xf32, #tpu.memory_space<hbm>>) target(%dma_start3A_168 : memref<128x128xf32, #tpu.memory_space<vmem>>) offsets(%dma_start3A_171 : memref<128xi32, #tpu.memory_space<vmem>>) semaphore(%arg10 : memref<!tpu.dma_semaphore, #tpu.memory_space<semaphore_mem>>)
    %dma_start3A_175 = arith.constant 1 : i32
    %dma_start3A_176 = arith.constant 128 : i32
    %dma_start3A_177 = arith.constant 0 : i32
    %dma_start3A_178 = tpu.memref_slice %arg9[%dma_start3A_176, %dma_start3A_177] : memref<512x128xf32, #tpu.memory_space<vmem>> -> memref<128x128xf32, #tpu.memory_space<vmem>>
    %dma_start3A_179 = arith.constant 0 : i32
    %dma_start3A_180 = tpu.memref_slice %arg8[%dma_start3A_175, %dma_start3A_179] : memref<8x128xi32, #tpu.memory_space<vmem>> -> memref<1x128xi32, #tpu.memory_space<vmem>>
    %dma_start3A_181 = tpu.memref_squeeze %dma_start3A_180 : memref<1x128xi32, #tpu.memory_space<vmem>> -> memref<128xi32, #tpu.memory_space<vmem>>
    %dma_start3A_182 = arith.constant 0 : i32
    %dma_start3A_183 = arith.constant 0 : i32
    %dma_start3A_184 = tpu.memref_slice %arg3[%dma_start3A_182, %dma_start3A_183] : memref<784x128xf32, #tpu.memory_space<hbm>> -> memref<784x128xf32, #tpu.memory_space<hbm>>
    tpu.enqueue_indirect_dma source(%dma_start3A_184 : memref<784x128xf32, #tpu.memory_space<hbm>>) target(%dma_start3A_178 : memref<128x128xf32, #tpu.memory_space<vmem>>) offsets(%dma_start3A_181 : memref<128xi32, #tpu.memory_space<vmem>>) semaphore(%arg10 : memref<!tpu.dma_semaphore, #tpu.memory_space<semaphore_mem>>)
    %dma_start3A_185 = arith.constant 2 : i32
    %dma_start3A_186 = arith.constant 256 : i32
    %dma_start3A_187 = arith.constant 0 : i32
    %dma_start3A_188 = tpu.memref_slice %arg9[%dma_start3A_186, %dma_start3A_187] : memref<512x128xf32, #tpu.memory_space<vmem>> -> memref<128x128xf32, #tpu.memory_space<vmem>>
    %dma_start3A_189 = arith.constant 0 : i32
    %dma_start3A_190 = tpu.memref_slice %arg8[%dma_start3A_185, %dma_start3A_189] : memref<8x128xi32, #tpu.memory_space<vmem>> -> memref<1x128xi32, #tpu.memory_space<vmem>>
    %dma_start3A_191 = tpu.memref_squeeze %dma_start3A_190 : memref<1x128xi32, #tpu.memory_space<vmem>> -> memref<128xi32, #tpu.memory_space<vmem>>
    %dma_start3A_192 = arith.constant 0 : i32
    %dma_start3A_193 = arith.constant 0 : i32
    %dma_start3A_194 = tpu.memref_slice %arg3[%dma_start3A_192, %dma_start3A_193] : memref<784x128xf32, #tpu.memory_space<hbm>> -> memref<784x128xf32, #tpu.memory_space<hbm>>
    tpu.enqueue_indirect_dma source(%dma_start3A_194 : memref<784x128xf32, #tpu.memory_space<hbm>>) target(%dma_start3A_188 : memref<128x128xf32, #tpu.memory_space<vmem>>) offsets(%dma_start3A_191 : memref<128xi32, #tpu.memory_space<vmem>>) semaphore(%arg10 : memref<!tpu.dma_semaphore, #tpu.memory_space<semaphore_mem>>)
    %dma_start3A_195 = arith.constant 3 : i32
    %dma_start3A_196 = arith.constant 384 : i32
    %dma_start3A_197 = arith.constant 0 : i32
    %dma_start3A_198 = tpu.memref_slice %arg9[%dma_start3A_196, %dma_start3A_197] : memref<512x128xf32, #tpu.memory_space<vmem>> -> memref<128x128xf32, #tpu.memory_space<vmem>>
    %dma_start3A_199 = arith.constant 0 : i32
    %dma_start3A_200 = tpu.memref_slice %arg8[%dma_start3A_195, %dma_start3A_199] : memref<8x128xi32, #tpu.memory_space<vmem>> -> memref<1x128xi32, #tpu.memory_space<vmem>>
    %dma_start3A_201 = tpu.memref_squeeze %dma_start3A_200 : memref<1x128xi32, #tpu.memory_space<vmem>> -> memref<128xi32, #tpu.memory_space<vmem>>
    %dma_start3A_202 = arith.constant 0 : i32
    %dma_start3A_203 = arith.constant 0 : i32
    %dma_start3A_204 = tpu.memref_slice %arg3[%dma_start3A_202, %dma_start3A_203] : memref<784x128xf32, #tpu.memory_space<hbm>> -> memref<784x128xf32, #tpu.memory_space<hbm>>
    tpu.enqueue_indirect_dma source(%dma_start3A_204 : memref<784x128xf32, #tpu.memory_space<hbm>>) target(%dma_start3A_198 : memref<128x128xf32, #tpu.memory_space<vmem>>) offsets(%dma_start3A_201 : memref<128xi32, #tpu.memory_space<vmem>>) semaphore(%arg10 : memref<!tpu.dma_semaphore, #tpu.memory_space<semaphore_mem>>)
    %dma_wait3A_205 = arith.constant 0 : i32
    %dma_wait3A_206 = arith.constant 0 : i32
    %dma_wait3A_207 = arith.constant 0 : i32
    %dma_wait3A_208 = tpu.memref_slice %arg9[%dma_wait3A_206, %dma_wait3A_207] : memref<512x128xf32, #tpu.memory_space<vmem>> -> memref<128x128xf32, #tpu.memory_space<vmem>>
    %dma_wait3A_209 = arith.constant 0 : i32
    %dma_wait3A_210 = tpu.memref_slice %arg8[%dma_wait3A_205, %dma_wait3A_209] : memref<8x128xi32, #tpu.memory_space<vmem>> -> memref<1x128xi32, #tpu.memory_space<vmem>>
    %dma_wait3A_211 = tpu.memref_squeeze %dma_wait3A_210 : memref<1x128xi32, #tpu.memory_space<vmem>> -> memref<128xi32, #tpu.memory_space<vmem>>
    %dma_wait3A_212 = arith.constant 0 : i32
    %dma_wait3A_213 = arith.constant 0 : i32
    %dma_wait3A_214 = tpu.memref_slice %arg3[%dma_wait3A_212, %dma_wait3A_213] : memref<784x128xf32, #tpu.memory_space<hbm>> -> memref<784x128xf32, #tpu.memory_space<hbm>>
    tpu.wait_indirect_dma semaphore(%arg10 : memref<!tpu.dma_semaphore, #tpu.memory_space<semaphore_mem>>) src(%dma_wait3A_214 : memref<784x128xf32, #tpu.memory_space<hbm>>) dst(%dma_wait3A_208 : memref<128x128xf32, #tpu.memory_space<vmem>>)
    %dma_wait3A_215 = arith.constant 1 : i32
    %dma_wait3A_216 = arith.constant 128 : i32
    %dma_wait3A_217 = arith.constant 0 : i32
    %dma_wait3A_218 = tpu.memref_slice %arg9[%dma_wait3A_216, %dma_wait3A_217] : memref<512x128xf32, #tpu.memory_space<vmem>> -> memref<128x128xf32, #tpu.memory_space<vmem>>
    %dma_wait3A_219 = arith.constant 0 : i32
    %dma_wait3A_220 = tpu.memref_slice %arg8[%dma_wait3A_215, %dma_wait3A_219] : memref<8x128xi32, #tpu.memory_space<vmem>> -> memref<1x128xi32, #tpu.memory_space<vmem>>
    %dma_wait3A_221 = tpu.memref_squeeze %dma_wait3A_220 : memref<1x128xi32, #tpu.memory_space<vmem>> -> memref<128xi32, #tpu.memory_space<vmem>>
    %dma_wait3A_222 = arith.constant 0 : i32
    %dma_wait3A_223 = arith.constant 0 : i32
    %dma_wait3A_224 = tpu.memref_slice %arg3[%dma_wait3A_222, %dma_wait3A_223] : memref<784x128xf32, #tpu.memory_space<hbm>> -> memref<784x128xf32, #tpu.memory_space<hbm>>
    tpu.wait_indirect_dma semaphore(%arg10 : memref<!tpu.dma_semaphore, #tpu.memory_space<semaphore_mem>>) src(%dma_wait3A_224 : memref<784x128xf32, #tpu.memory_space<hbm>>) dst(%dma_wait3A_218 : memref<128x128xf32, #tpu.memory_space<vmem>>)
    %dma_wait3A_225 = arith.constant 2 : i32
    %dma_wait3A_226 = arith.constant 256 : i32
    %dma_wait3A_227 = arith.constant 0 : i32
    %dma_wait3A_228 = tpu.memref_slice %arg9[%dma_wait3A_226, %dma_wait3A_227] : memref<512x128xf32, #tpu.memory_space<vmem>> -> memref<128x128xf32, #tpu.memory_space<vmem>>
    %dma_wait3A_229 = arith.constant 0 : i32
    %dma_wait3A_230 = tpu.memref_slice %arg8[%dma_wait3A_225, %dma_wait3A_229] : memref<8x128xi32, #tpu.memory_space<vmem>> -> memref<1x128xi32, #tpu.memory_space<vmem>>
    %dma_wait3A_231 = tpu.memref_squeeze %dma_wait3A_230 : memref<1x128xi32, #tpu.memory_space<vmem>> -> memref<128xi32, #tpu.memory_space<vmem>>
    %dma_wait3A_232 = arith.constant 0 : i32
    %dma_wait3A_233 = arith.constant 0 : i32
    %dma_wait3A_234 = tpu.memref_slice %arg3[%dma_wait3A_232, %dma_wait3A_233] : memref<784x128xf32, #tpu.memory_space<hbm>> -> memref<784x128xf32, #tpu.memory_space<hbm>>
    tpu.wait_indirect_dma semaphore(%arg10 : memref<!tpu.dma_semaphore, #tpu.memory_space<semaphore_mem>>) src(%dma_wait3A_234 : memref<784x128xf32, #tpu.memory_space<hbm>>) dst(%dma_wait3A_228 : memref<128x128xf32, #tpu.memory_space<vmem>>)
    %dma_wait3A_235 = arith.constant 3 : i32
    %dma_wait3A_236 = arith.constant 384 : i32
    %dma_wait3A_237 = arith.constant 0 : i32
    %dma_wait3A_238 = tpu.memref_slice %arg9[%dma_wait3A_236, %dma_wait3A_237] : memref<512x128xf32, #tpu.memory_space<vmem>> -> memref<128x128xf32, #tpu.memory_space<vmem>>
    %dma_wait3A_239 = arith.constant 0 : i32
    %dma_wait3A_240 = tpu.memref_slice %arg8[%dma_wait3A_235, %dma_wait3A_239] : memref<8x128xi32, #tpu.memory_space<vmem>> -> memref<1x128xi32, #tpu.memory_space<vmem>>
    %dma_wait3A_241 = tpu.memref_squeeze %dma_wait3A_240 : memref<1x128xi32, #tpu.memory_space<vmem>> -> memref<128xi32, #tpu.memory_space<vmem>>
    %dma_wait3A_242 = arith.constant 0 : i32
    %dma_wait3A_243 = arith.constant 0 : i32
    %dma_wait3A_244 = tpu.memref_slice %arg3[%dma_wait3A_242, %dma_wait3A_243] : memref<784x128xf32, #tpu.memory_space<hbm>> -> memref<784x128xf32, #tpu.memory_space<hbm>>
    tpu.wait_indirect_dma semaphore(%arg10 : memref<!tpu.dma_semaphore, #tpu.memory_space<semaphore_mem>>) src(%dma_wait3A_244 : memref<784x128xf32, #tpu.memory_space<hbm>>) dst(%dma_wait3A_238 : memref<128x128xf32, #tpu.memory_space<vmem>>)
    %add3A_245 = arith.constant 0 : i32
    %add3A_246 = arith.addi %mul3A_2, %add3A_245 : i32
    "tpu.region"() ({
      %run_scoped3A = tpu.sem_alloc : memref<!tpu.dma_semaphore, #tpu.memory_space<semaphore_mem>>
      %dma_start3A_329 = arith.constant 0 : i32
      %dma_start3A_330 = tpu.memref_slice %arg7[%add3A_246, %dma_start3A_329] : memref<32768x128xf32, #tpu.memory_space<hbm>> -> memref<512x128xf32, #tpu.memory_space<hbm>>
      %dma_start3A_331 = arith.constant 0 : i32
      %dma_start3A_332 = tpu.memref_slice %arg7[%add3A_246, %dma_start3A_331] : memref<32768x128xf32, #tpu.memory_space<hbm>> -> memref<512x128xf32, #tpu.memory_space<hbm>>
      tpu.enqueue_dma source(%arg9 : memref<512x128xf32, #tpu.memory_space<vmem>>) target(%dma_start3A_332 : memref<512x128xf32, #tpu.memory_space<hbm>>) target_semaphore(%run_scoped3A : memref<!tpu.dma_semaphore, #tpu.memory_space<semaphore_mem>>)
      %dma_wait3A_333 = arith.constant 0 : i32
      %dma_wait3A_334 = tpu.memref_slice %arg7[%add3A_246, %dma_wait3A_333] : memref<32768x128xf32, #tpu.memory_space<hbm>> -> memref<512x128xf32, #tpu.memory_space<hbm>>
      %dma_wait3A_335 = arith.constant 0 : i32
      %dma_wait3A_336 = tpu.memref_slice %arg7[%add3A_246, %dma_wait3A_335] : memref<32768x128xf32, #tpu.memory_space<hbm>> -> memref<512x128xf32, #tpu.memory_space<hbm>>
      tpu.wait_dma2 semaphore(%run_scoped3A : memref<!tpu.dma_semaphore, #tpu.memory_space<semaphore_mem>>) src(%arg9 : memref<512x128xf32, #tpu.memory_space<vmem>>) dst(%dma_wait3A_336 : memref<512x128xf32, #tpu.memory_space<hbm>>)
      tpu.yield
    }) : () -> ()
    %dma_start3A_247 = arith.constant 4 : i32
    %dma_start3A_248 = arith.constant 0 : i32
    %dma_start3A_249 = arith.constant 0 : i32
    %dma_start3A_250 = tpu.memref_slice %arg9[%dma_start3A_248, %dma_start3A_249] : memref<512x128xf32, #tpu.memory_space<vmem>> -> memref<128x128xf32, #tpu.memory_space<vmem>>
    %dma_start3A_251 = arith.constant 0 : i32
    %dma_start3A_252 = tpu.memref_slice %arg8[%dma_start3A_247, %dma_start3A_251] : memref<8x128xi32, #tpu.memory_space<vmem>> -> memref<1x128xi32, #tpu.memory_space<vmem>>
    %dma_start3A_253 = tpu.memref_squeeze %dma_start3A_252 : memref<1x128xi32, #tpu.memory_space<vmem>> -> memref<128xi32, #tpu.memory_space<vmem>>
    %dma_start3A_254 = arith.constant 0 : i32
    %dma_start3A_255 = arith.constant 0 : i32
    %dma_start3A_256 = tpu.memref_slice %arg3[%dma_start3A_254, %dma_start3A_255] : memref<784x128xf32, #tpu.memory_space<hbm>> -> memref<784x128xf32, #tpu.memory_space<hbm>>
    tpu.enqueue_indirect_dma source(%dma_start3A_256 : memref<784x128xf32, #tpu.memory_space<hbm>>) target(%dma_start3A_250 : memref<128x128xf32, #tpu.memory_space<vmem>>) offsets(%dma_start3A_253 : memref<128xi32, #tpu.memory_space<vmem>>) semaphore(%arg10 : memref<!tpu.dma_semaphore, #tpu.memory_space<semaphore_mem>>)
    %dma_start3A_257 = arith.constant 5 : i32
    %dma_start3A_258 = arith.constant 128 : i32
    %dma_start3A_259 = arith.constant 0 : i32
    %dma_start3A_260 = tpu.memref_slice %arg9[%dma_start3A_258, %dma_start3A_259] : memref<512x128xf32, #tpu.memory_space<vmem>> -> memref<128x128xf32, #tpu.memory_space<vmem>>
    %dma_start3A_261 = arith.constant 0 : i32
    %dma_start3A_262 = tpu.memref_slice %arg8[%dma_start3A_257, %dma_start3A_261] : memref<8x128xi32, #tpu.memory_space<vmem>> -> memref<1x128xi32, #tpu.memory_space<vmem>>
    %dma_start3A_263 = tpu.memref_squeeze %dma_start3A_262 : memref<1x128xi32, #tpu.memory_space<vmem>> -> memref<128xi32, #tpu.memory_space<vmem>>
    %dma_start3A_264 = arith.constant 0 : i32
    %dma_start3A_265 = arith.constant 0 : i32
    %dma_start3A_266 = tpu.memref_slice %arg3[%dma_start3A_264, %dma_start3A_265] : memref<784x128xf32, #tpu.memory_space<hbm>> -> memref<784x128xf32, #tpu.memory_space<hbm>>
    tpu.enqueue_indirect_dma source(%dma_start3A_266 : memref<784x128xf32, #tpu.memory_space<hbm>>) target(%dma_start3A_260 : memref<128x128xf32, #tpu.memory_space<vmem>>) offsets(%dma_start3A_263 : memref<128xi32, #tpu.memory_space<vmem>>) semaphore(%arg10 : memref<!tpu.dma_semaphore, #tpu.memory_space<semaphore_mem>>)
    %dma_start3A_267 = arith.constant 6 : i32
    %dma_start3A_268 = arith.constant 256 : i32
    %dma_start3A_269 = arith.constant 0 : i32
    %dma_start3A_270 = tpu.memref_slice %arg9[%dma_start3A_268, %dma_start3A_269] : memref<512x128xf32, #tpu.memory_space<vmem>> -> memref<128x128xf32, #tpu.memory_space<vmem>>
    %dma_start3A_271 = arith.constant 0 : i32
    %dma_start3A_272 = tpu.memref_slice %arg8[%dma_start3A_267, %dma_start3A_271] : memref<8x128xi32, #tpu.memory_space<vmem>> -> memref<1x128xi32, #tpu.memory_space<vmem>>
    %dma_start3A_273 = tpu.memref_squeeze %dma_start3A_272 : memref<1x128xi32, #tpu.memory_space<vmem>> -> memref<128xi32, #tpu.memory_space<vmem>>
    %dma_start3A_274 = arith.constant 0 : i32
    %dma_start3A_275 = arith.constant 0 : i32
    %dma_start3A_276 = tpu.memref_slice %arg3[%dma_start3A_274, %dma_start3A_275] : memref<784x128xf32, #tpu.memory_space<hbm>> -> memref<784x128xf32, #tpu.memory_space<hbm>>
    tpu.enqueue_indirect_dma source(%dma_start3A_276 : memref<784x128xf32, #tpu.memory_space<hbm>>) target(%dma_start3A_270 : memref<128x128xf32, #tpu.memory_space<vmem>>) offsets(%dma_start3A_273 : memref<128xi32, #tpu.memory_space<vmem>>) semaphore(%arg10 : memref<!tpu.dma_semaphore, #tpu.memory_space<semaphore_mem>>)
    %dma_start3A_277 = arith.constant 7 : i32
    %dma_start3A_278 = arith.constant 384 : i32
    %dma_start3A_279 = arith.constant 0 : i32
    %dma_start3A_280 = tpu.memref_slice %arg9[%dma_start3A_278, %dma_start3A_279] : memref<512x128xf32, #tpu.memory_space<vmem>> -> memref<128x128xf32, #tpu.memory_space<vmem>>
    %dma_start3A_281 = arith.constant 0 : i32
    %dma_start3A_282 = tpu.memref_slice %arg8[%dma_start3A_277, %dma_start3A_281] : memref<8x128xi32, #tpu.memory_space<vmem>> -> memref<1x128xi32, #tpu.memory_space<vmem>>
    %dma_start3A_283 = tpu.memref_squeeze %dma_start3A_282 : memref<1x128xi32, #tpu.memory_space<vmem>> -> memref<128xi32, #tpu.memory_space<vmem>>
    %dma_start3A_284 = arith.constant 0 : i32
    %dma_start3A_285 = arith.constant 0 : i32
    %dma_start3A_286 = tpu.memref_slice %arg3[%dma_start3A_284, %dma_start3A_285] : memref<784x128xf32, #tpu.memory_space<hbm>> -> memref<784x128xf32, #tpu.memory_space<hbm>>
    tpu.enqueue_indirect_dma source(%dma_start3A_286 : memref<784x128xf32, #tpu.memory_space<hbm>>) target(%dma_start3A_280 : memref<128x128xf32, #tpu.memory_space<vmem>>) offsets(%dma_start3A_283 : memref<128xi32, #tpu.memory_space<vmem>>) semaphore(%arg10 : memref<!tpu.dma_semaphore, #tpu.memory_space<semaphore_mem>>)
    %dma_wait3A_287 = arith.constant 4 : i32
    %dma_wait3A_288 = arith.constant 0 : i32
    %dma_wait3A_289 = arith.constant 0 : i32
    %dma_wait3A_290 = tpu.memref_slice %arg9[%dma_wait3A_288, %dma_wait3A_289] : memref<512x128xf32, #tpu.memory_space<vmem>> -> memref<128x128xf32, #tpu.memory_space<vmem>>
    %dma_wait3A_291 = arith.constant 0 : i32
    %dma_wait3A_292 = tpu.memref_slice %arg8[%dma_wait3A_287, %dma_wait3A_291] : memref<8x128xi32, #tpu.memory_space<vmem>> -> memref<1x128xi32, #tpu.memory_space<vmem>>
    %dma_wait3A_293 = tpu.memref_squeeze %dma_wait3A_292 : memref<1x128xi32, #tpu.memory_space<vmem>> -> memref<128xi32, #tpu.memory_space<vmem>>
    %dma_wait3A_294 = arith.constant 0 : i32
    %dma_wait3A_295 = arith.constant 0 : i32
    %dma_wait3A_296 = tpu.memref_slice %arg3[%dma_wait3A_294, %dma_wait3A_295] : memref<784x128xf32, #tpu.memory_space<hbm>> -> memref<784x128xf32, #tpu.memory_space<hbm>>
    tpu.wait_indirect_dma semaphore(%arg10 : memref<!tpu.dma_semaphore, #tpu.memory_space<semaphore_mem>>) src(%dma_wait3A_296 : memref<784x128xf32, #tpu.memory_space<hbm>>) dst(%dma_wait3A_290 : memref<128x128xf32, #tpu.memory_space<vmem>>)
    %dma_wait3A_297 = arith.constant 5 : i32
    %dma_wait3A_298 = arith.constant 128 : i32
    %dma_wait3A_299 = arith.constant 0 : i32
    %dma_wait3A_300 = tpu.memref_slice %arg9[%dma_wait3A_298, %dma_wait3A_299] : memref<512x128xf32, #tpu.memory_space<vmem>> -> memref<128x128xf32, #tpu.memory_space<vmem>>
    %dma_wait3A_301 = arith.constant 0 : i32
    %dma_wait3A_302 = tpu.memref_slice %arg8[%dma_wait3A_297, %dma_wait3A_301] : memref<8x128xi32, #tpu.memory_space<vmem>> -> memref<1x128xi32, #tpu.memory_space<vmem>>
    %dma_wait3A_303 = tpu.memref_squeeze %dma_wait3A_302 : memref<1x128xi32, #tpu.memory_space<vmem>> -> memref<128xi32, #tpu.memory_space<vmem>>
    %dma_wait3A_304 = arith.constant 0 : i32
    %dma_wait3A_305 = arith.constant 0 : i32
    %dma_wait3A_306 = tpu.memref_slice %arg3[%dma_wait3A_304, %dma_wait3A_305] : memref<784x128xf32, #tpu.memory_space<hbm>> -> memref<784x128xf32, #tpu.memory_space<hbm>>
    tpu.wait_indirect_dma semaphore(%arg10 : memref<!tpu.dma_semaphore, #tpu.memory_space<semaphore_mem>>) src(%dma_wait3A_306 : memref<784x128xf32, #tpu.memory_space<hbm>>) dst(%dma_wait3A_300 : memref<128x128xf32, #tpu.memory_space<vmem>>)
    %dma_wait3A_307 = arith.constant 6 : i32
    %dma_wait3A_308 = arith.constant 256 : i32
    %dma_wait3A_309 = arith.constant 0 : i32
    %dma_wait3A_310 = tpu.memref_slice %arg9[%dma_wait3A_308, %dma_wait3A_309] : memref<512x128xf32, #tpu.memory_space<vmem>> -> memref<128x128xf32, #tpu.memory_space<vmem>>
    %dma_wait3A_311 = arith.constant 0 : i32
    %dma_wait3A_312 = tpu.memref_slice %arg8[%dma_wait3A_307, %dma_wait3A_311] : memref<8x128xi32, #tpu.memory_space<vmem>> -> memref<1x128xi32, #tpu.memory_space<vmem>>
    %dma_wait3A_313 = tpu.memref_squeeze %dma_wait3A_312 : memref<1x128xi32, #tpu.memory_space<vmem>> -> memref<128xi32, #tpu.memory_space<vmem>>
    %dma_wait3A_314 = arith.constant 0 : i32
    %dma_wait3A_315 = arith.constant 0 : i32
    %dma_wait3A_316 = tpu.memref_slice %arg3[%dma_wait3A_314, %dma_wait3A_315] : memref<784x128xf32, #tpu.memory_space<hbm>> -> memref<784x128xf32, #tpu.memory_space<hbm>>
    tpu.wait_indirect_dma semaphore(%arg10 : memref<!tpu.dma_semaphore, #tpu.memory_space<semaphore_mem>>) src(%dma_wait3A_316 : memref<784x128xf32, #tpu.memory_space<hbm>>) dst(%dma_wait3A_310 : memref<128x128xf32, #tpu.memory_space<vmem>>)
    %dma_wait3A_317 = arith.constant 7 : i32
    %dma_wait3A_318 = arith.constant 384 : i32
    %dma_wait3A_319 = arith.constant 0 : i32
    %dma_wait3A_320 = tpu.memref_slice %arg9[%dma_wait3A_318, %dma_wait3A_319] : memref<512x128xf32, #tpu.memory_space<vmem>> -> memref<128x128xf32, #tpu.memory_space<vmem>>
    %dma_wait3A_321 = arith.constant 0 : i32
    %dma_wait3A_322 = tpu.memref_slice %arg8[%dma_wait3A_317, %dma_wait3A_321] : memref<8x128xi32, #tpu.memory_space<vmem>> -> memref<1x128xi32, #tpu.memory_space<vmem>>
    %dma_wait3A_323 = tpu.memref_squeeze %dma_wait3A_322 : memref<1x128xi32, #tpu.memory_space<vmem>> -> memref<128xi32, #tpu.memory_space<vmem>>
    %dma_wait3A_324 = arith.constant 0 : i32
    %dma_wait3A_325 = arith.constant 0 : i32
    %dma_wait3A_326 = tpu.memref_slice %arg3[%dma_wait3A_324, %dma_wait3A_325] : memref<784x128xf32, #tpu.memory_space<hbm>> -> memref<784x128xf32, #tpu.memory_space<hbm>>
    tpu.wait_indirect_dma semaphore(%arg10 : memref<!tpu.dma_semaphore, #tpu.memory_space<semaphore_mem>>) src(%dma_wait3A_326 : memref<784x128xf32, #tpu.memory_space<hbm>>) dst(%dma_wait3A_320 : memref<128x128xf32, #tpu.memory_space<vmem>>)
    %add3A_327 = arith.constant 512 : i32
    %add3A_328 = arith.addi %mul3A_2, %add3A_327 : i32
    "tpu.region"() ({
      %run_scoped3A = tpu.sem_alloc : memref<!tpu.dma_semaphore, #tpu.memory_space<semaphore_mem>>
      %dma_start3A_329 = arith.constant 0 : i32
      %dma_start3A_330 = tpu.memref_slice %arg7[%add3A_328, %dma_start3A_329] : memref<32768x128xf32, #tpu.memory_space<hbm>> -> memref<512x128xf32, #tpu.memory_space<hbm>>
      %dma_start3A_331 = arith.constant 0 : i32
      %dma_start3A_332 = tpu.memref_slice %arg7[%add3A_328, %dma_start3A_331] : memref<32768x128xf32, #tpu.memory_space<hbm>> -> memref<512x128xf32, #tpu.memory_space<hbm>>
      tpu.enqueue_dma source(%arg9 : memref<512x128xf32, #tpu.memory_space<vmem>>) target(%dma_start3A_332 : memref<512x128xf32, #tpu.memory_space<hbm>>) target_semaphore(%run_scoped3A : memref<!tpu.dma_semaphore, #tpu.memory_space<semaphore_mem>>)
      %dma_wait3A_333 = arith.constant 0 : i32
      %dma_wait3A_334 = tpu.memref_slice %arg7[%add3A_328, %dma_wait3A_333] : memref<32768x128xf32, #tpu.memory_space<hbm>> -> memref<512x128xf32, #tpu.memory_space<hbm>>
      %dma_wait3A_335 = arith.constant 0 : i32
      %dma_wait3A_336 = tpu.memref_slice %arg7[%add3A_328, %dma_wait3A_335] : memref<32768x128xf32, #tpu.memory_space<hbm>> -> memref<512x128xf32, #tpu.memory_space<hbm>>
      tpu.wait_dma2 semaphore(%run_scoped3A : memref<!tpu.dma_semaphore, #tpu.memory_space<semaphore_mem>>) src(%arg9 : memref<512x128xf32, #tpu.memory_space<vmem>>) dst(%dma_wait3A_336 : memref<512x128xf32, #tpu.memory_space<hbm>>)
      tpu.yield
    }) : () -> ()
    return
  }
}

module attributes {stable_mosaic.version = 14 : i64} {
  func.func @_select_body(%arg0: i32, %arg1: memref<256x784xf32, #tpu.memory_space<vmem>>, %arg2: memref<256x32xi32, #tpu.memory_space<vmem>>, %arg3: memref<256x32xi32, #tpu.memory_space<vmem>>, %arg4: memref<256x784xf32, #tpu.memory_space<vmem>>) attributes {dimension_semantics = [#tpu.dimension_semantics<arbitrary>], iteration_bounds = array<i64: 4>, scalar_prefetch = 0 : i64, scratch_operands = 1 : i64, tpu.core_type = #tpu.core_type<tc>, window_params = [{transform_indices = @transform_0, window_bounds = array<i64: 256, 784>}, {transform_indices = @transform_1, window_bounds = array<i64: 256, 32>}, {transform_indices = @transform_2, window_bounds = array<i64: 256, 32>}]} {
    %get3A = arith.constant 0 : index
    %get3A_0 = arith.constant 0 : index
    %get3A_1 = vector.load %arg1[%get3A, %get3A_0] : memref<256x784xf32, #tpu.memory_space<vmem>>, vector<256x784xf32>
    %swap3A = arith.constant 0 : index
    %swap3A_2 = arith.constant 0 : index
    %swap3A_3 = vector.load %arg4[%swap3A, %swap3A_2] : memref<256x784xf32, #tpu.memory_space<vmem>>, vector<256x784xf32>
    tpu.vector_store %arg4[%swap3A, %swap3A_2], %get3A_1 {strides = array<i32>} : memref<256x784xf32, #tpu.memory_space<vmem>>, vector<256x784xf32>,
    %iota3A = tpu.iota {dimensions = array<i32: 1>} : vector<256x784xi32>
    %iota3A_4 = tpu.iota {dimensions = array<i32: 1>} : vector<256x32xi32>
    %broadcast_in_dim3A = arith.constant 0 : i32
    %broadcast_in_dim3A_5 = vector.broadcast %broadcast_in_dim3A : i32 to vector<256x32xi32>
    %scan3A = arith.constant 0 : i32
    %scan3A_6 = arith.constant 32 : i32
    %scan3A_7 = arith.addi %scan3A, %scan3A_6 : i32
    %scan3A_8 = arith.constant 1 : i32
    %scan3A_9 = scf.for %scan3A_24 = %scan3A to %scan3A_7 step %scan3A_8 iter_args(%scan3A_25 = %broadcast_in_dim3A_5) -> (vector<256x32xi32>)  : i32 {
      %get3A_26 = arith.constant 0 : index
      %get3A_27 = arith.constant 0 : index
      %get3A_28 = vector.load %arg4[%get3A_26, %get3A_27] : memref<256x784xf32, #tpu.memory_space<vmem>>, vector<256x784xf32>
      %reduce_min3A = arith.constant dense<0x7F800000> : vector<256xf32>
      %reduce_min3A_29 = vector.multi_reduction <minimumf>, %get3A_28, %reduce_min3A [1] : vector<256x784xf32> to vector<256xf32>
      %broadcast_in_dim3A_30 = vector.shape_cast %reduce_min3A_29 : vector<256xf32> to vector<256x1xf32>
      %eq3A = vector.broadcast %broadcast_in_dim3A_30 : vector<256x1xf32> to vector<256x784xf32>
      %eq3A_31 = arith.cmpf oeq, %get3A_28, %eq3A : vector<256x784xf32>
      %jit3A = arith.constant 784 : i32
      %broadcast_in_dim3A_32 = vector.broadcast %jit3A : i32 to vector<256x784xi32>
      %select_n3A = arith.select %eq3A_31, %iota3A, %broadcast_in_dim3A_32 : vector<256x784xi1>, vector<256x784xi32>
      %reduce_min3A_33 = arith.constant dense<2147483647> : vector<256xi32>
      %reduce_min3A_34 = vector.multi_reduction <minsi>, %select_n3A, %reduce_min3A_33 [1] : vector<256x784xi32> to vector<256xi32>
      %broadcast_in_dim3A_35 = vector.shape_cast %reduce_min3A_34 : vector<256xi32> to vector<256x1xi32>
      %eq3A_36 = vector.broadcast %scan3A_24 : i32 to vector<256x32xi32>
      %eq3A_37 = arith.cmpi eq, %iota3A_4, %eq3A_36 : vector<256x32xi32>
      %broadcast_in_dim3A_38 = vector.shape_cast %broadcast_in_dim3A_35 : vector<256x1xi32> to vector<256x1xi32>
      %broadcast_in_dim3A_39 = vector.broadcast %broadcast_in_dim3A_38 : vector<256x1xi32> to vector<256x32xi32>
      %select_n3A_40 = arith.select %eq3A_37, %broadcast_in_dim3A_39, %scan3A_25 : vector<256x32xi1>, vector<256x32xi32>
      %eq3A_41 = vector.broadcast %broadcast_in_dim3A_35 : vector<256x1xi32> to vector<256x784xi32>
      %eq3A_42 = arith.cmpi eq, %iota3A, %eq3A_41 : vector<256x784xi32>
      %jit3A_43 = arith.constant 1.000000e+30 : f32
      %broadcast_in_dim3A_44 = vector.broadcast %jit3A_43 : f32 to vector<256x784xf32>
      %select_n3A_45 = arith.select %eq3A_42, %broadcast_in_dim3A_44, %get3A_28 : vector<256x784xi1>, vector<256x784xf32>
      %swap3A_46 = arith.constant 0 : index
      %swap3A_47 = arith.constant 0 : index
      %swap3A_48 = vector.load %arg4[%swap3A_46, %swap3A_47] : memref<256x784xf32, #tpu.memory_space<vmem>>, vector<256x784xf32>
      tpu.vector_store %arg4[%swap3A_46, %swap3A_47], %select_n3A_45 {strides = array<i32>} : memref<256x784xf32, #tpu.memory_space<vmem>>, vector<256x784xf32>,
      scf.yield %select_n3A_40 : vector<256x32xi32>
    }
    %scan3A_10 = arith.constant 32 : i32
    %swap3A_11 = arith.constant 0 : index
    %swap3A_12 = arith.constant 0 : index
    %swap3A_13 = vector.load %arg3[%swap3A_11, %swap3A_12] : memref<256x32xi32, #tpu.memory_space<vmem>>, vector<256x32xi32>
    tpu.vector_store %arg3[%swap3A_11, %swap3A_12], %scan3A_9 {strides = array<i32>} : memref<256x32xi32, #tpu.memory_space<vmem>>, vector<256x32xi32>,
    %mul3A = arith.constant 256 : i32
    %mul3A_14 = arith.muli %arg0, %mul3A : i32
    %iota3A_15 = tpu.iota {dimensions = array<i32: 0>} : vector<256x32xi32>
    %add3A = vector.broadcast %mul3A_14 : i32 to vector<256x32xi32>
    %add3A_16 = arith.addi %add3A, %iota3A_15 : vector<256x32xi32>
    %mul3A_17 = arith.constant 784 : i32
    %mul3A_18 = vector.broadcast %mul3A_17 : i32 to vector<256x32xi32>
    %mul3A_19 = arith.muli %add3A_16, %mul3A_18 : vector<256x32xi32>
    %add3A_20 = arith.addi %scan3A_9, %mul3A_19 : vector<256x32xi32>
    %swap3A_21 = arith.constant 0 : index
    %swap3A_22 = arith.constant 0 : index
    %swap3A_23 = vector.load %arg2[%swap3A_21, %swap3A_22] : memref<256x32xi32, #tpu.memory_space<vmem>>, vector<256x32xi32>
    tpu.vector_store %arg2[%swap3A_21, %swap3A_22], %add3A_20 {strides = array<i32>} : memref<256x32xi32, #tpu.memory_space<vmem>>, vector<256x32xi32>,
    return
  }
  func.func @transform_0(%arg0: i32) -> (i32, i32) {
    %c0_i32 = arith.constant 0 : i32
    %c0_i32_0 = arith.constant 0 : i32
    return %arg0, %c0_i32 : i32, i32
  }
  func.func @transform_1(%arg0: i32) -> (i32, i32) {
    %c0_i32 = arith.constant 0 : i32
    %c0_i32_0 = arith.constant 0 : i32
    return %arg0, %c0_i32 : i32, i32
  }
  func.func @transform_2(%arg0: i32) -> (i32, i32) {
    %c0_i32 = arith.constant 0 : i32
    %c0_i32_0 = arith.constant 0 : i32
    return %arg0, %c0_i32 : i32, i32
  }
}

module attributes {stable_mosaic.version = 14 : i64} {
  func.func @_dist_body(%arg0: i32, %arg1: i32, %arg2: memref<256x128xf32, #tpu.memory_space<vmem>>, %arg3: memref<2048x128xf32, #tpu.memory_space<vmem>>, %arg4: memref<256x2048xf32, #tpu.memory_space<vmem>>, %arg5: memref<1x256x16xf32, #tpu.memory_space<vmem>>, %arg6: memref<1x1xf32, #tpu.memory_space<smem>>) attributes {dimension_semantics = [#tpu.dimension_semantics<arbitrary>, #tpu.dimension_semantics<arbitrary>], iteration_bounds = array<i64: 4, 49>, scalar_prefetch = 0 : i64, scratch_operands = 0 : i64, tpu.core_type = #tpu.core_type<tc>, window_params = [{transform_indices = @transform_0, window_bounds = array<i64: 256, 128>}, {transform_indices = @transform_1, window_bounds = array<i64: 2048, 128>}, {transform_indices = @transform_2, window_bounds = array<i64: 256, 2048>}, {transform_indices = @transform_3, window_bounds = array<i64: 1, 256, 16>}, {transform_indices = @transform_4, window_bounds = array<i64: 1, 1>}]} {
    %get3A = arith.constant 0 : index
    %get3A_0 = arith.constant 0 : index
    %get3A_1 = vector.load %arg2[%get3A, %get3A_0] : memref<256x128xf32, #tpu.memory_space<vmem>>, vector<256x128xf32>
    %get3A_2 = arith.constant 0 : index
    %get3A_3 = arith.constant 0 : index
    %get3A_4 = vector.load %arg3[%get3A_2, %get3A_3] : memref<2048x128xf32, #tpu.memory_space<vmem>>, vector<2048x128xf32>
    %dot_general3A = arith.constant dense<0.000000e+00> : vector<256x2048xf32>
    %dot_general3A_5 = tpu.matmul %get3A_1, %get3A_4, %dot_general3A {dimension_numbers = #tpu.dot_dimension_numbers<[1], [1], [0], [0], [0, 0, 1, 0], [], []>, transpose_lhs_hint = false} : vector<256x128xf32>, vector<2048x128xf32>, vector<256x2048xf32> -> vector<256x2048xf32>
    %mul3A = arith.mulf %get3A_1, %get3A_1 : vector<256x128xf32>
    %reduce_sum3A = arith.constant dense<0.000000e+00> : vector<256xf32>
    %reduce_sum3A_6 = vector.multi_reduction <add>, %mul3A, %reduce_sum3A [1] : vector<256x128xf32> to vector<256xf32>
    %broadcast_in_dim3A = vector.shape_cast %reduce_sum3A_6 : vector<256xf32> to vector<256x1xf32>
    %mul3A_7 = arith.mulf %get3A_4, %get3A_4 : vector<2048x128xf32>
    %reduce_sum3A_8 = arith.constant dense<0.000000e+00> : vector<2048xf32>
    %reduce_sum3A_9 = vector.multi_reduction <add>, %mul3A_7, %reduce_sum3A_8 [1] : vector<2048x128xf32> to vector<2048xf32>
    %broadcast_in_dim3A_10 = vector.shape_cast %reduce_sum3A_9 : vector<2048xf32> to vector<1x2048xf32>
    %add3A = vector.broadcast %broadcast_in_dim3A : vector<256x1xf32> to vector<256x2048xf32>
    %add3A_11 = vector.broadcast %broadcast_in_dim3A_10 : vector<1x2048xf32> to vector<256x2048xf32>
    %add3A_12 = arith.addf %add3A, %add3A_11 : vector<256x2048xf32>
    %mul3A_13 = arith.constant 2.000000e+00 : f32
    %mul3A_14 = vector.broadcast %mul3A_13 : f32 to vector<256x2048xf32>
    %mul3A_15 = arith.mulf %mul3A_14, %dot_general3A_5 : vector<256x2048xf32>
    %sub3A = arith.subf %add3A_12, %mul3A_15 : vector<256x2048xf32>
    %max3A = arith.constant 9.99999996E-13 : f32
    %max3A_16 = vector.broadcast %max3A : f32 to vector<256x2048xf32>
    %max3A_17 = arith.maximumf %sub3A, %max3A_16 : vector<256x2048xf32>
    %sqrt3A = math.sqrt %max3A_17 : vector<256x2048xf32>
    %eq3A = arith.constant 0 : i32
    %eq3A_18 = arith.cmpi eq, %arg0, %eq3A : i32
    %eq3A_19 = arith.constant 0 : i32
    %eq3A_20 = arith.cmpi eq, %arg1, %eq3A_19 : i32
    %and3A = arith.andi %eq3A_18, %eq3A_20 : i1
    %convert_element_type3A = arith.extui %and3A : i1 to i32
    %cond3A = arith.constant 0 : i32
    %cond3A_21 = arith.cmpi ne, %convert_element_type3A, %cond3A : i32
    scf.if %cond3A_21 {
      %swap3A = arith.constant 0.000000e+00 : f32
      %swap3A_31 = arith.constant 0 : index
      %swap3A_32 = arith.constant 0 : index
      %swap3A_33 = memref.load %arg6[%swap3A_31, %swap3A_32] : memref<1x1xf32, #tpu.memory_space<smem>>
      memref.store %swap3A, %arg6[%swap3A_31, %swap3A_32] : memref<1x1xf32, #tpu.memory_space<smem>>
    } else {
    }
    %lt3A = arith.constant 48 : i32
    %lt3A_22 = arith.cmpi slt, %arg1, %lt3A : i32
    %convert_element_type3A_23 = arith.extui %lt3A_22 : i1 to i32
    %cond3A_24 = arith.constant 0 : i32
    %cond3A_25 = arith.cmpi ne, %convert_element_type3A_23, %cond3A_24 : i32
    scf.if %cond3A_25 {
      %swap3A = arith.constant 0 : index
      %swap3A_31 = arith.constant 0 : index
      %swap3A_32 = vector.load %arg4[%swap3A, %swap3A_31] : memref<256x2048xf32, #tpu.memory_space<vmem>>, vector<256x2048xf32>
      tpu.vector_store %arg4[%swap3A, %swap3A_31], %sqrt3A {strides = array<i32>} : memref<256x2048xf32, #tpu.memory_space<vmem>>, vector<256x2048xf32>,
      %reshape3A = vector.shape_cast %sqrt3A : vector<256x2048xf32> to vector<256x16x128xf32>
      %reduce_min3A = arith.constant dense<0x7F800000> : vector<256x16xf32>
      %reduce_min3A_33 = vector.multi_reduction <minimumf>, %reshape3A, %reduce_min3A [2] : vector<256x16x128xf32> to vector<256x16xf32>
      %swap3A_34 = arith.constant 0 : index
      %swap3A_35 = arith.constant 0 : index
      %swap3A_36 = arith.constant 0 : index
      %swap3A_37 = vector.load %arg5[%swap3A_34, %swap3A_35, %swap3A_36] : memref<1x256x16xf32, #tpu.memory_space<vmem>>, vector<1x256x16xf32>
      %swap3A_38 = vector.shape_cast %swap3A_37 : vector<1x256x16xf32> to vector<256x16xf32>
      %swap3A_39 = vector.shape_cast %reduce_min3A_33 : vector<256x16xf32> to vector<1x256x16xf32>
      tpu.vector_store %arg5[%swap3A_34, %swap3A_35, %swap3A_36], %swap3A_39 {strides = array<i32>} : memref<1x256x16xf32, #tpu.memory_space<vmem>>, vector<1x256x16xf32>,
      %get3A_40 = arith.constant 0 : index
      %get3A_41 = arith.constant 0 : index
      %get3A_42 = memref.load %arg6[%get3A_40, %get3A_41] : memref<1x1xf32, #tpu.memory_space<smem>>
      %reduce_sum3A_43 = vector.shape_cast %sqrt3A : vector<256x2048xf32> to vector<1x256x2048xf32>
      %reduce_sum3A_44 = arith.constant dense<0.000000e+00> : vector<1xf32>
      %reduce_sum3A_45 = vector.multi_reduction <add>, %reduce_sum3A_43, %reduce_sum3A_44 [1, 2] : vector<1x256x2048xf32> to vector<1xf32>
      %reduce_sum3A_46 = vector.shape_cast %reduce_sum3A_45 : vector<1xf32> to vector<1x1x1xf32>
      %reduce_sum3A_47 = vector.extract %reduce_sum3A_46[0, 0, 0] : f32 from vector<1x1x1xf32>
      %add3A_48 = arith.addf %get3A_42, %reduce_sum3A_47 : f32
      %swap3A_49 = arith.constant 0 : index
      %swap3A_50 = arith.constant 0 : index
      %swap3A_51 = memref.load %arg6[%swap3A_49, %swap3A_50] : memref<1x1xf32, #tpu.memory_space<smem>>
      memref.store %add3A_48, %arg6[%swap3A_49, %swap3A_50] : memref<1x1xf32, #tpu.memory_space<smem>>
    } else {
    }
    %eq3A_26 = arith.constant 48 : i32
    %eq3A_27 = arith.cmpi eq, %arg1, %eq3A_26 : i32
    %convert_element_type3A_28 = arith.extui %eq3A_27 : i1 to i32
    %cond3A_29 = arith.constant 0 : i32
    %cond3A_30 = arith.cmpi ne, %convert_element_type3A_28, %cond3A_29 : i32
    scf.if %cond3A_30 {
      %mul3A_31 = arith.constant 2048 : i32
      %mul3A_32 = arith.muli %arg1, %mul3A_31 : i32
      %iota3A = tpu.iota {dimensions = array<i32: 1>} : vector<256x2048xi32>
      %add3A_33 = vector.broadcast %mul3A_32 : i32 to vector<256x2048xi32>
      %add3A_34 = arith.addi %add3A_33, %iota3A : vector<256x2048xi32>
      %ge3A = arith.constant 100000 : i32
      %ge3A_35 = vector.broadcast %ge3A : i32 to vector<256x2048xi32>
      %ge3A_36 = arith.cmpi sge, %add3A_34, %ge3A_35 : vector<256x2048xi32>
      %jit3A = arith.constant 1.000000e+30 : f32
      %broadcast_in_dim3A_37 = vector.broadcast %jit3A : f32 to vector<256x2048xf32>
      %select_n3A = arith.select %ge3A_36, %broadcast_in_dim3A_37, %sqrt3A : vector<256x2048xi1>, vector<256x2048xf32>
      %swap3A = arith.constant 0 : index
      %swap3A_38 = arith.constant 0 : index
      %swap3A_39 = vector.load %arg4[%swap3A, %swap3A_38] : memref<256x2048xf32, #tpu.memory_space<vmem>>, vector<256x2048xf32>
      tpu.vector_store %arg4[%swap3A, %swap3A_38], %select_n3A {strides = array<i32>} : memref<256x2048xf32, #tpu.memory_space<vmem>>, vector<256x2048xf32>,
      %reshape3A = vector.shape_cast %select_n3A : vector<256x2048xf32> to vector<256x16x128xf32>
      %reduce_min3A = arith.constant dense<0x7F800000> : vector<256x16xf32>
      %reduce_min3A_40 = vector.multi_reduction <minimumf>, %reshape3A, %reduce_min3A [2] : vector<256x16x128xf32> to vector<256x16xf32>
      %swap3A_41 = arith.constant 0 : index
      %swap3A_42 = arith.constant 0 : index
      %swap3A_43 = arith.constant 0 : index
      %swap3A_44 = vector.load %arg5[%swap3A_41, %swap3A_42, %swap3A_43] : memref<1x256x16xf32, #tpu.memory_space<vmem>>, vector<1x256x16xf32>
      %swap3A_45 = vector.shape_cast %swap3A_44 : vector<1x256x16xf32> to vector<256x16xf32>
      %swap3A_46 = vector.shape_cast %reduce_min3A_40 : vector<256x16xf32> to vector<1x256x16xf32>
      tpu.vector_store %arg5[%swap3A_41, %swap3A_42, %swap3A_43], %swap3A_46 {strides = array<i32>} : memref<1x256x16xf32, #tpu.memory_space<vmem>>, vector<1x256x16xf32>,
      %get3A_47 = arith.constant 0 : index
      %get3A_48 = arith.constant 0 : index
      %get3A_49 = memref.load %arg6[%get3A_47, %get3A_48] : memref<1x1xf32, #tpu.memory_space<smem>>
      %jit3A_50 = arith.constant 0.000000e+00 : f32
      %broadcast_in_dim3A_51 = vector.broadcast %jit3A_50 : f32 to vector<256x2048xf32>
      %select_n3A_52 = arith.select %ge3A_36, %broadcast_in_dim3A_51, %sqrt3A : vector<256x2048xi1>, vector<256x2048xf32>
      %reduce_sum3A_53 = vector.shape_cast %select_n3A_52 : vector<256x2048xf32> to vector<1x256x2048xf32>
      %reduce_sum3A_54 = arith.constant dense<0.000000e+00> : vector<1xf32>
      %reduce_sum3A_55 = vector.multi_reduction <add>, %reduce_sum3A_53, %reduce_sum3A_54 [1, 2] : vector<1x256x2048xf32> to vector<1xf32>
      %reduce_sum3A_56 = vector.shape_cast %reduce_sum3A_55 : vector<1xf32> to vector<1x1x1xf32>
      %reduce_sum3A_57 = vector.extract %reduce_sum3A_56[0, 0, 0] : f32 from vector<1x1x1xf32>
      %add3A_58 = arith.addf %get3A_49, %reduce_sum3A_57 : f32
      %swap3A_59 = arith.constant 0 : index
      %swap3A_60 = arith.constant 0 : index
      %swap3A_61 = memref.load %arg6[%swap3A_59, %swap3A_60] : memref<1x1xf32, #tpu.memory_space<smem>>
      memref.store %add3A_58, %arg6[%swap3A_59, %swap3A_60] : memref<1x1xf32, #tpu.memory_space<smem>>
    } else {
    }
    return
  }
  func.func @transform_0(%arg0: i32, %arg1: i32) -> (i32, i32) {
    %c0_i32 = arith.constant 0 : i32
    %c0_i32_0 = arith.constant 0 : i32
    return %arg0, %c0_i32 : i32, i32
  }
  func.func @transform_1(%arg0: i32, %arg1: i32) -> (i32, i32) {
    %c0_i32 = arith.constant 0 : i32
    %c0_i32_0 = arith.constant 0 : i32
    return %arg1, %c0_i32 : i32, i32
  }
  func.func @transform_2(%arg0: i32, %arg1: i32) -> (i32, i32) {
    %c0_i32 = arith.constant 0 : i32
    return %arg0, %arg1 : i32, i32
  }
  func.func @transform_3(%arg0: i32, %arg1: i32) -> (i32, i32, i32) {
    %c0_i32 = arith.constant 0 : i32
    %c0_i32_0 = arith.constant 0 : i32
    return %arg1, %arg0, %c0_i32 : i32, i32, i32
  }
  func.func @transform_4(%arg0: i32, %arg1: i32) -> (i32, i32) {
    %c0_i32 = arith.constant 0 : i32
    %c0_i32_0 = arith.constant 0 : i32
    %c0_i32_1 = arith.constant 0 : i32
    return %c0_i32, %c0_i32_0 : i32, i32
  }
}

module attributes {stable_mosaic.version = 14 : i64} {
  func.func @_final_body(%arg0: i32, %arg1: memref<256x4096xf32, #tpu.memory_space<vmem>>, %arg2: memref<256x4096xf32, #tpu.memory_space<vmem>>, %arg3: memref<1x1xf32, #tpu.memory_space<smem>>, %arg4: memref<1x1xf32, #tpu.memory_space<smem>>, %arg5: memref<256x4096xf32, #tpu.memory_space<vmem>>) attributes {dimension_semantics = [#tpu.dimension_semantics<arbitrary>], iteration_bounds = array<i64: 4>, scalar_prefetch = 0 : i64, scratch_operands = 1 : i64, tpu.core_type = #tpu.core_type<tc>, window_params = [{transform_indices = @transform_0, window_bounds = array<i64: 256, 4096>}, {transform_indices = @transform_1, window_bounds = array<i64: 256, 4096>}, {transform_indices = @transform_2, window_bounds = array<i64: 1, 1>}, {transform_indices = @transform_3, window_bounds = array<i64: 1, 1>}]} {
    %eq3A = arith.constant 0 : i32
    %eq3A_0 = arith.cmpi eq, %arg0, %eq3A : i32
    %convert_element_type3A = arith.extui %eq3A_0 : i1 to i32
    %cond3A = arith.constant 0 : i32
    %cond3A_1 = arith.cmpi ne, %convert_element_type3A, %cond3A : i32
    scf.if %cond3A_1 {
      %swap3A_26 = arith.constant 0.000000e+00 : f32
      %swap3A_27 = arith.constant 0 : index
      %swap3A_28 = arith.constant 0 : index
      %swap3A_29 = memref.load %arg4[%swap3A_27, %swap3A_28] : memref<1x1xf32, #tpu.memory_space<smem>>
      memref.store %swap3A_26, %arg4[%swap3A_27, %swap3A_28] : memref<1x1xf32, #tpu.memory_space<smem>>
    } else {
    }
    %get3A = arith.constant 0 : index
    %get3A_2 = arith.constant 0 : index
    %get3A_3 = vector.load %arg1[%get3A, %get3A_2] : memref<256x4096xf32, #tpu.memory_space<vmem>>, vector<256x4096xf32>
    %swap3A = arith.constant 0 : index
    %swap3A_4 = arith.constant 0 : index
    %swap3A_5 = vector.load %arg5[%swap3A, %swap3A_4] : memref<256x4096xf32, #tpu.memory_space<vmem>>, vector<256x4096xf32>
    tpu.vector_store %arg5[%swap3A, %swap3A_4], %get3A_3 {strides = array<i32>} : memref<256x4096xf32, #tpu.memory_space<vmem>>, vector<256x4096xf32>,
    %iota3A = tpu.iota {dimensions = array<i32: 1>} : vector<256x4096xi32>
    %broadcast_in_dim3A = arith.constant 0.000000e+00 : f32
    %broadcast_in_dim3A_6 = vector.broadcast %broadcast_in_dim3A : f32 to vector<256x1xf32>
    %scan3A = arith.constant 0 : i32
    %scan3A_7 = arith.constant 32 : i32
    %scan3A_8 = arith.addi %scan3A, %scan3A_7 : i32
    %scan3A_9 = arith.constant 1 : i32
    %scan3A_10 = scf.for %scan3A_26 = %scan3A to %scan3A_8 step %scan3A_9 iter_args(%scan3A_27 = %broadcast_in_dim3A_6) -> (vector<256x1xf32>)  : i32 {
      %get3A_28 = arith.constant 0 : index
      %get3A_29 = arith.constant 0 : index
      %get3A_30 = vector.load %arg5[%get3A_28, %get3A_29] : memref<256x4096xf32, #tpu.memory_space<vmem>>, vector<256x4096xf32>
      %get3A_31 = arith.constant 0 : index
      %get3A_32 = arith.constant 0 : index
      %get3A_33 = vector.load %arg2[%get3A_31, %get3A_32] : memref<256x4096xf32, #tpu.memory_space<vmem>>, vector<256x4096xf32>
      %reduce_min3A = arith.constant dense<0x7F800000> : vector<256xf32>
      %reduce_min3A_34 = vector.multi_reduction <minimumf>, %get3A_30, %reduce_min3A [1] : vector<256x4096xf32> to vector<256xf32>
      %broadcast_in_dim3A_35 = vector.shape_cast %reduce_min3A_34 : vector<256xf32> to vector<256x1xf32>
      %eq3A_36 = vector.broadcast %broadcast_in_dim3A_35 : vector<256x1xf32> to vector<256x4096xf32>
      %eq3A_37 = arith.cmpf oeq, %get3A_30, %eq3A_36 : vector<256x4096xf32>
      %jit3A = arith.constant 4096 : i32
      %broadcast_in_dim3A_38 = vector.broadcast %jit3A : i32 to vector<256x4096xi32>
      %select_n3A = arith.select %eq3A_37, %iota3A, %broadcast_in_dim3A_38 : vector<256x4096xi1>, vector<256x4096xi32>
      %reduce_min3A_39 = arith.constant dense<2147483647> : vector<256xi32>
      %reduce_min3A_40 = vector.multi_reduction <minsi>, %select_n3A, %reduce_min3A_39 [1] : vector<256x4096xi32> to vector<256xi32>
      %broadcast_in_dim3A_41 = vector.shape_cast %reduce_min3A_40 : vector<256xi32> to vector<256x1xi32>
      %eq3A_42 = vector.broadcast %broadcast_in_dim3A_41 : vector<256x1xi32> to vector<256x4096xi32>
      %eq3A_43 = arith.cmpi eq, %iota3A, %eq3A_42 : vector<256x4096xi32>
      %jit3A_44 = arith.constant 0.000000e+00 : f32
      %broadcast_in_dim3A_45 = vector.broadcast %jit3A_44 : f32 to vector<256x4096xf32>
      %select_n3A_46 = arith.select %eq3A_43, %get3A_33, %broadcast_in_dim3A_45 : vector<256x4096xi1>, vector<256x4096xf32>
      %reduce_sum3A_47 = arith.constant dense<0.000000e+00> : vector<256xf32>
      %reduce_sum3A_48 = vector.multi_reduction <add>, %select_n3A_46, %reduce_sum3A_47 [1] : vector<256x4096xf32> to vector<256xf32>
      %broadcast_in_dim3A_49 = vector.shape_cast %reduce_sum3A_48 : vector<256xf32> to vector<256x1xf32>
      %jit3A_50 = arith.constant 1.000000e+30 : f32
      %broadcast_in_dim3A_51 = vector.broadcast %jit3A_50 : f32 to vector<256x4096xf32>
      %select_n3A_52 = arith.select %eq3A_43, %broadcast_in_dim3A_51, %get3A_30 : vector<256x4096xi1>, vector<256x4096xf32>
      %swap3A_53 = arith.constant 0 : index
      %swap3A_54 = arith.constant 0 : index
      %swap3A_55 = vector.load %arg5[%swap3A_53, %swap3A_54] : memref<256x4096xf32, #tpu.memory_space<vmem>>, vector<256x4096xf32>
      tpu.vector_store %arg5[%swap3A_53, %swap3A_54], %select_n3A_52 {strides = array<i32>} : memref<256x4096xf32, #tpu.memory_space<vmem>>, vector<256x4096xf32>,
      %sub3A = arith.constant 1.000000e+00 : f32
      %sub3A_56 = vector.broadcast %sub3A : f32 to vector<256x1xf32>
      %sub3A_57 = arith.subf %sub3A_56, %broadcast_in_dim3A_35 : vector<256x1xf32>
      %mul3A = arith.mulf %sub3A_57, %broadcast_in_dim3A_49 : vector<256x1xf32>
      %add3A_58 = arith.addf %scan3A_27, %mul3A : vector<256x1xf32>
      scf.yield %add3A_58 : vector<256x1xf32>
    }
    %get3A_11 = arith.constant 0 : index
    %get3A_12 = arith.constant 0 : index
    %get3A_13 = memref.load %arg4[%get3A_11, %get3A_12] : memref<1x1xf32, #tpu.memory_space<smem>>
    %reduce_sum3A = vector.shape_cast %scan3A_10 : vector<256x1xf32> to vector<1x256x1xf32>
    %reduce_sum3A_14 = arith.constant dense<0.000000e+00> : vector<1xf32>
    %reduce_sum3A_15 = vector.multi_reduction <add>, %reduce_sum3A, %reduce_sum3A_14 [1, 2] : vector<1x256x1xf32> to vector<1xf32>
    %reduce_sum3A_16 = vector.shape_cast %reduce_sum3A_15 : vector<1xf32> to vector<1x1x1xf32>
    %reduce_sum3A_17 = vector.extract %reduce_sum3A_16[0, 0, 0] : f32 from vector<1x1x1xf32>
    %add3A = arith.addf %get3A_13, %reduce_sum3A_17 : f32
    %swap3A_18 = arith.constant 0 : index
    %swap3A_19 = arith.constant 0 : index
    %swap3A_20 = memref.load %arg4[%swap3A_18, %swap3A_19] : memref<1x1xf32, #tpu.memory_space<smem>>
    memref.store %add3A, %arg4[%swap3A_18, %swap3A_19] : memref<1x1xf32, #tpu.memory_space<smem>>
    %eq3A_21 = arith.constant 3 : i32
    %eq3A_22 = arith.cmpi eq, %arg0, %eq3A_21 : i32
    %convert_element_type3A_23 = arith.extui %eq3A_22 : i1 to i32
    %cond3A_24 = arith.constant 0 : i32
    %cond3A_25 = arith.cmpi ne, %convert_element_type3A_23, %cond3A_24 : i32
    scf.if %cond3A_25 {
      %get3A_26 = arith.constant 0 : index
      %get3A_27 = arith.constant 0 : index
      %get3A_28 = memref.load %arg4[%get3A_26, %get3A_27] : memref<1x1xf32, #tpu.memory_space<smem>>
      %get3A_29 = arith.constant 0 : index
      %get3A_30 = arith.constant 0 : index
      %get3A_31 = memref.load %arg3[%get3A_29, %get3A_30] : memref<1x1xf32, #tpu.memory_space<smem>>
      %div3A = arith.divf %get3A_28, %get3A_31 : f32
      %swap3A_32 = arith.constant 0 : index
      %swap3A_33 = arith.constant 0 : index
      %swap3A_34 = memref.load %arg4[%swap3A_32, %swap3A_33] : memref<1x1xf32, #tpu.memory_space<smem>>
      memref.store %div3A, %arg4[%swap3A_32, %swap3A_33] : memref<1x1xf32, #tpu.memory_space<smem>>
    } else {
    }
    return
  }
  func.func @transform_0(%arg0: i32) -> (i32, i32) {
    %c0_i32 = arith.constant 0 : i32
    %c0_i32_0 = arith.constant 0 : i32
    return %arg0, %c0_i32 : i32, i32
  }
  func.func @transform_1(%arg0: i32) -> (i32, i32) {
    %c0_i32 = arith.constant 0 : i32
    %c0_i32_0 = arith.constant 0 : i32
    return %arg0, %c0_i32 : i32, i32
  }
  func.func @transform_2(%arg0: i32) -> (i32, i32) {
    %c0_i32 = arith.constant 0 : i32
    %c0_i32_0 = arith.constant 0 : i32
    %c0_i32_1 = arith.constant 0 : i32
    return %c0_i32, %c0_i32_0 : i32, i32
  }
  func.func @transform_3(%arg0: i32) -> (i32, i32) {
    %c0_i32 = arith.constant 0 : i32
    %c0_i32_0 = arith.constant 0 : i32
    %c0_i32_1 = arith.constant 0 : i32
    return %c0_i32, %c0_i32_0 : i32, i32
  }
}

</mosaic_0001>

<sc_bundles>
// kernel: kernel.6.cloned.1.call-start
scs
__scs_entry_jumppad:
0x0: {  	(pc) =	sbr.rel $0x88, $3  }
0x1: {  	(tag) =	ssettag $0x0;
	lr =	simm.s32 $0x1  }
0x2: {  	[smem:$0x3F9D] =	sst lr;
	_ =	strace $0xD0000000  }
0x3: {  	_ = 	snop  }
0x4: {  	_ = 	snop  }
0x5: {  	_ = 	snop  }
0x6: {  	_ = 	snop  }
0x7: {  	_ = 	snop  }
__scs_overlays_trampoline_lowered:
0x8: {  	[smem:$0x3FAC] =	sst s0  }
0x9: {  	[smem:$0x3FAD] =	sst s1  }
0xa: {  	[smem:$0x3FAE] =	sst s2  }
0xb: {  	[smem:$0x3FAF] =	sst s3  }
0xc: {  	[smem:$0x3FB0] =	sst s4  }
0xd: {  	[smem:$0x3FB1] =	sst s5  }
0xe: {  	[smem:$0x3FB2] =	sst s6  }
0xf: {  	[smem:$0x3FB3] =	sst s7  }
0x10: {  	[smem:$0x3FB4] =	sst s8  }
0x11: {  	[smem:$0x3FB5] =	sst s9;
	s0 =	simm.s32 @!p0 $0x0  }
0x12: {  	s1 =	sld [smem:$0x3F9B];
	s0 =	simm.s32 @p0 $0x1  }
0x13: {  	[smem:$0x3FB6] =	sst s0;
	s0 =	simm.s32 @!p1 $0x0  }
0x14: {  	s2 =	sld [smem:$0x3F9A];
	s0 =	simm.s32 @p1 $0x1  }
0x15: {  	[smem:$0x3FB7] =	sst s0;
	s0 =	simm.s32 @!p2 $0x0  }
0x16: {  	s3 =	sld [smem:$0x3FDB];
	s0 =	simm.s32 @p2 $0x1  }
0x17: {  	s4 =	simm.s32 $0x1BF5;
	[smem:$0x3FB9] =	sst s0  }
0x18: {  	s0 =	sld [smem:$0x3F9C];
	_ =	swait.ge [sflag:s4], $0x0  }
0x19: {  	s7 =	sld [smem:$0x3F9D]  }
0x1a: {  	s8 =	sadd.s32 $0xFFFFE003, lr  }
0x1b: {  	s9 =	sadd.s32 $0xFFFFFEF7, lr;
	s5 =	simm.s32 $0xFFFFFFFF;
	p2 =	slt.u32 s8, $0xFFFFF086  }
0x1c: {  	p1 =	slt.u32 s9, $0xF7A;
	s5 =	simm.s32 @!p2 $0x0  }
0x1d: {  	s5 =	simm.s32 @p1 $0x1;
	p0 =	seq.s32 s7, s2  }
0x1e: {  	s7 =	smul.u32 @!p0 $0xF7A, s2;
	p2 =	seq.s32 @!p0 s5, $0x0  }
0x1f: {  	s9 =	smul.u32 $0xF7A, s1;
	s8 =	simm.s32 @!p0 $0x1BF5;
	p2 =	por !p2, p0  }
0x20: {  	[sflag:s8] =	ssyncset.s32 @!p0 $0xFFFFF086;
	s6 =	sadd.s32 @!p0 s3, s7;
	s7 =	simm.s32 @!p0 $0x108  }
0x21: {  	s3 =	sadd.s32 s3, s9;
	s6 =	sadd.s32 @!p0 $0x88, s6;
	s7 =	simm.s32 @p2 $0x1082  }
0x22: {  	[simem:s7], [sflag:s8] =	dma.local @!p0 [hbm:s6], $0xF7A  }
0x23: {  	s9 =	sor.u32 $0xD0000000, s2;
	s6 =	simm.s32 $0x108;
	_ =	swait.ge @!p0 [sflag:s8], $0x0  }
0x24: {  	s3 =	sadd.s32 $0x88, s3;
	s6 =	simm.s32 @!p1 $0x1082;
	[sflag:s4] =	ssyncset.s32 $0xFFFFF086  }
0x25: {  	[simem:s6], [sflag:s4] =	dma.local [hbm:s3], $0xF7A  }
0x26: {  	[smem:$0x3F9D] =	sst s1;
	(tag) =	ssettag s2;
	_ =	strace s9  }
0x27: {  	s1 =	sld [smem:$0x3FAD]  }
0x28: {  	s2 =	sld [smem:$0x3FAE]  }
0x29: {  	s4 =	sld [smem:$0x3FB0]  }
0x2a: {  	p0 =	seq.s32 s5, $0x0;
	s5 =	sld [smem:$0x3FB1]  }
0x2b: {  	s6 =	sld [smem:$0x3FB2]  }
0x2c: {  	s7 =	sld [smem:$0x3FB3]  }
0x2d: {  	s3 =	simm.s32 $0x108;
	s8 =	sld [smem:$0x3FB4]  }
0x2e: {  	s3 =	simm.s32 @!p0 $0x1082;
	s9 =	sld [smem:$0x3FB5]  }
0x2f: {  	lr =	sadd.s32 s0, s3;
	s0 =	sld [smem:$0x3FAC]  }
0x30: {  	s3 =	sld [smem:$0x3FAF]  }
0x31: {  	[smem:$0x3FB8] =	sst s10  }
0x32: {  	s10 =	sld [smem:$0x3FB6];
	_ =	sdelay $0x3  }
0x33: {  	p0 =	seq.s32 s10, $0x1;
	s10 =	sld [smem:$0x3FB8];
	_ =	sdelay $0x3  }
0x34: {  	[smem:$0x3FB8] =	sst s10  }
0x35: {  	s10 =	sld [smem:$0x3FB7];
	_ =	sdelay $0x3  }
0x36: {  	p1 =	seq.s32 s10, $0x1;
	s10 =	sld [smem:$0x3FB8];
	_ =	sdelay $0x3  }
0x37: {  	[smem:$0x3FB8] =	sst s10  }
0x38: {  	s10 =	sld [smem:$0x3FB9]  }
0x39: {  	_ = 	snop;
	(pc) =	sbr.ind lr, $3  }
0x3a: {  	_ = 	snop  }
0x3b: {  	_ = 	snop  }
0x3c: {  	p2 =	seq.s32 s10, $0x1;
	s10 =	sld [smem:$0x3FB8]  }
0x3d: {  	_ =	shalt  }
0x3e: {  	_ =	shalt  }
0x3f: {  	_ =	shalt  }
0x40: {  	_ =	shalt  }
0x41: {  	_ =	shalt  }
0x42: {  	_ =	shalt  }
0x43: {  	_ =	shalt  }
0x44: {  	_ =	shalt  }
0x45: {  	_ =	shalt  }
0x46: {  	_ =	shalt  }
0x47: {  	_ =	shalt  }
0x48: {  	_ =	shalt  }
0x49: {  	_ =	shalt  }
0x4a: {  	_ =	shalt  }
0x4b: {  	_ =	shalt  }
0x4c: {  	_ =	shalt  }
0x4d: {  	_ =	shalt  }
0x4e: {  	_ =	shalt  }
0x4f: {  	_ =	shalt  }
0x50: {  	_ =	shalt  }
0x51: {  	_ =	shalt  }
0x52: {  	_ =	shalt  }
0x53: {  	_ =	shalt  }
0x54: {  	_ =	shalt  }
0x55: {  	_ =	shalt  }
0x56: {  	_ =	shalt  }
0x57: {  	_ =	shalt  }
0x58: {  	_ =	shalt  }
0x59: {  	_ =	shalt  }
0x5a: {  	_ =	shalt  }
0x5b: {  	_ =	shalt  }
0x5c: {  	_ =	shalt  }
0x5d: {  	_ =	shalt  }
0x5e: {  	_ =	shalt  }
0x5f: {  	_ =	shalt  }
0x60: {  	_ =	shalt  }
0x61: {  	_ =	shalt  }
0x62: {  	_ =	shalt  }
0x63: {  	_ =	shalt  }
0x64: {  	_ =	shalt  }
0x65: {  	_ =	shalt  }
0x66: {  	_ =	shalt  }
0x67: {  	_ =	shalt  }
0x68: {  	_ =	shalt  }
0x69: {  	_ =	shalt  }
0x6a: {  	_ =	shalt  }
0x6b: {  	_ =	shalt  }
0x6c: {  	_ =	shalt  }
0x6d: {  	_ =	shalt  }
0x6e: {  	_ =	shalt  }
0x6f: {  	_ =	shalt  }
0x70: {  	_ =	shalt  }
0x71: {  	_ =	shalt  }
0x72: {  	_ =	shalt  }
0x73: {  	_ =	shalt  }
0x74: {  	_ =	shalt  }
0x75: {  	_ =	shalt  }
0x76: {  	_ =	shalt  }
0x77: {  	_ =	shalt  }
0x78: {  	_ =	shalt  }
0x79: {  	_ =	shalt  }
0x7a: {  	_ =	shalt  }
0x7b: {  	_ =	shalt  }
0x7c: {  	_ =	shalt  }
0x7d: {  	_ =	shalt  }
0x7e: {  	_ =	shalt  }
0x7f: {  	_ =	shalt  }
0x80: {  	_ =	shalt  }
0x81: {  	_ =	shalt  }
0x82: {  	_ =	shalt  }
0x83: {  	_ =	shalt  }
0x84: {  	_ =	shalt  }
0x85: {  	_ =	shalt  }
0x86: {  	_ =	shalt  }
0x87: {  	_ =	shalt  }
.Lfunc_end0:
.L_simem_size_0:
called_computation_lowered:
.L_overlay_start_0:
0x88: {  	s2 =	sld [smem:$0x3FD9]  }
0x89: {  	s3 =	sld [smem:$0x3FFE];
	_ =	sdelay $0x1  }
0x8a: {  	s1 =	srdreg.scid  }
0x8b: {  	s0 =	sand.u32 $0x1, s1  }
0x8c: {  	s16 =	sshll.u32 s0, $0xA;
	s2 =	sadd.s32 s3, s2  }
0x8d: {  	s2 =	sadd.s32 s2, s16  }
0x8e: {  	[smem:$0x3FC4] =	sst s2  }
0x8f: {  	_ = 	snop  }
0x90: {  	(tm) =	ssettm $0x1  }
0x91: {  	s17 =	sld [smem:$0x3FFB];
	_ =	sdelay $0x3  }
0x92: {  	_ =	strace s17  }
0x93: {  	s2 =	sld [smem:$0x3FFC];
	_ =	sdelay $0x3  }
0x94: {  	_ =	strace s2  }
0x95: {  	s2 =	sld [smem:$0x3FFD];
	_ =	sdelay $0x3  }
0x96: {  	_ =	strace s2  }
0x97: {  	_ =	strace $0x8FFFFFFF  }
0x98: {  	s18 =	sld [smem:$0x3FDB];
	_ =	sdelay $0x1  }
0x99: {  	s19 =	simm.s32 $_scs_section_size  }
0x9a: {  	s4 =	simm.s32 $_size__tile_overlayer_lowered;
	s5 =	simm.s32 $_tile_overlayer_lowered  }
0x9b: {  	s22 =	simm.s32 $0x1BFF;
	s21 =	sshll.u32 s5, $0x1;
	s2 =	sadd.s32 s19, s18  }
0x9c: {  	s6 =	simm.s32 $0x0;
	s20 =	sshll.u32 s4, $0x1;
	s4 =	sadd.s32 s21, s2  }
0x9d: {  	[timem:s6], [sflag:s22] =	dma.local [hbm:s4], s20  }
0x9e: {  	_ =	swait.ge [sflag:s22], s20  }
0x9f: {  	s3 =	ssub.s32 $0x0, s20;
	[sflag:s22] =	ssyncset.done $0x0  }
0xa0: {  	[sflag:s22] =	ssyncadd.s32 s3;
	_ =	sdelay $0x1  }
0xa1: {  	s23 =	simm.s32 $0x1B8B  }
0xa2: {  	_ =	swait.ge [sflag:s23], $0x1  }
0xa3: {  	[sflag:s23] =	ssyncset.done $0x0  }
0xa4: {  	s25 =	simm.s32 $0x1B8E;
	s24 =	sld [smem:$0x3FFE];
	[sflag:s23] =	ssyncadd.s32 $0xFFFFFFFF  }
0xa5: {  	s26 =	simm.s32 $execute0_lowered;
	[smem:$0x3FD2] =	sst s25  }
0xa6: {  	s4 =	sshll.u32 s26, $0x1;
	_ =	strace $0x80000046;
	[dreg:$0x1] =	wrdreg $0xFFFFFFFF  }
0xa7: {  	s28 =	simm.s32 $_size_execute0_lowered;
	s2 =	sadd.s32 s2, s4;
	[dreg:$0x0] =	wrdreg $0x0  }
0xa8: {  	s4 =	sshll.u32 s28, $0x1;
	[dreg:$0x2] =	wrdreg s2  }
0xa9: {  	[dreg:$0x3] =	wrdreg s4  }
0xaa: {  	[dreg:$0x4] =	wrdreg $0xC0  }
0xab: {  	_ =	task [dreg:s6], $0x5FFFF  }
0xac: {  	[dreg:$0x1] =	wrdreg $0xFFFFFFFF  }
0xad: {  	[dreg:$0x0] =	wrdreg $0x60  }
0xae: {  	[dreg:$0x2] =	wrdreg s24  }
0xaf: {  	[dreg:$0x3] =	wrdreg $0x9  }
0xb0: {  	_ =	task.clear_ibuf [dreg:s6], $0x4FFFF;
	_ =	strace $0x90000046  }
0xb1: {  	s29 =	simm.s32 $0x9;
	_ =	strace $0x80000048  }
0xb2: {  	_ =	swait.ge [sflag:s29], $0x1  }
0xb3: {  	[sflag:s29] =	ssyncadd.s32 $0xFFFFFFFF  }
0xb4: {  	_ =	strace $0x90000048  }
0xb5: {  	_ =	sfence  }
0xb6: {  	s30 =	sld [smem:$0x0];
	_ =	sdelay $0x2  }
0xb7: {  	s31 =	sshll.u32 s1, $0xD;
	s1 =	sshrl.u32 s1, $0x2  }
0xb8: {  	s3 =	sand.u32 $0x4000, s31;
	s1 =	sadd.s32 s1, s30  }
0xb9: {  	s0 =	sor.u32 s3, s0;
	s1 =	sshll.u32 s1, $0x11  }
0xba: {  	s0 =	sor.u32 s1, s0  }
0xbb: {  	s0 =	sadd.s32 $0x8F2B, s0  }
0xbc: {  	[sflag:s0] =	ssyncadd.remote.s32 $0x1  }
0xbd: {  	_ =	sfence.sel $0xFFFF  }
0xbe: {  	[dreg:$0x0] =	wrdreg $0xFFFFFFFF;
	(pc) =	sbr.abs _section_cstart, $3  }
0xbf: {  	[dreg:$0x1] =	wrdreg $0xFFFFFFFF  }
0xc0: {  	_ =	task.clear_ibuf [dreg:s6], $0x2FFFF;
	_ =	strace $0x9FFFFFFF  }
0xc1: {  	(tm) =	ssettm $0x7FFFFFFF  }
tec
execute0_lowered:
.L_overlay_start_1:
0x0: {  	(tag) =	ssettag $0x1  }
0x1: {  	s1 =	srdreg.scid  }
0x2: {  	s0 =	stileid.u32;
	s23 =	sand.u32 $0x1, s1  }
0x3: {  	s30 =	sshll.u32 s0, $0xB;
	s2 =	sshll.u32 s23, $0xA  }
0x4: {  	s22 =	rddreg [dreg:$0x0];
	s14 =	sor.u32 s2, s30  }
0x5: {  	s1 =	rddreg [dreg:$0x1];
	s2 =	simm.s32 $0x0;
	s3 =	sshrl.u32 s14, $0x3  }
0x6: {  	[smem:$0x7FF] =	sst s2;
	s20 =	sadd.s32 s3, s22  }
0x7: {  	_ =	strace $0x80000047;
	s3 =	simm.s32 $0x2;
	s4 =	sadd.s32 $0x1000, s20  }
0x8: {  	[tilespmem:s2], [sflag:$0x2] =	stream.linear.gather [hbm4b:s4+s2], $0x400, $0x38;
	[tilespmem:$0x10400] =	vst v63  }
0x9: {  	_ =	swait.ge [sflag:s3], $0x400  }
0xa: {  	s6 =	simm.s32 $0x80;
	[sflag:s3] =	ssyncset.done $0x0  }
0xb: {  	s7 =	simm.s32 $0x400;
	s5 =	sadd.s32 $0xD05200, s22;
	[sflag:s3] =	ssyncadd.s32 $0xFFFFFC00  }
0xc: {  	[tilespmem:s7], [sflag:$0x1] =	stream.indirect.gather [hbm4b:s5+s6], $0x80, s2, s6, $0xb8;
	[tilespmem:$0x10400] =	vst v63  }
0xd: {  	s8 =	simm.s32 $0x4400  }
0xe: {  	[tilespmem:s8], [sflag:$0x1] =	stream.indirect.gather [hbm4b:s5+s6], $0x80, s6, s6, $0xb8;
	[tilespmem:$0x10400] =	vst v63  }
0xf: {  	s9 =	simm.s32 $0x100;
	s10 =	simm.s32 $0x8400  }
0x10: {  	[tilespmem:s10], [sflag:$0x1] =	stream.indirect.gather [hbm4b:s5+s6], $0x80, s9, s6, $0xb8;
	[tilespmem:$0x10400] =	vst v63  }
0x11: {  	s11 =	simm.s32 $0x180;
	s12 =	simm.s32 $0xC400;
	s13 =	simm.s32 $0x1  }
0x12: {  	[tilespmem:s12], [sflag:$0x1] =	stream.indirect.gather [hbm4b:s5+s6], $0x80, s11, s6, $0xb8;
	[tilespmem:$0x10400] =	vst v63  }
0x13: {  	_ =	swait.ge [sflag:s13], $0x4000  }
0x14: {  	[sflag:s13] =	ssyncset.done $0x0  }
0x15: {  	[sflag:s13] =	ssyncadd.s32 $0xFFFFC000  }
0x16: {  	_ =	swait.ge [sflag:s13], $0x4000  }
0x17: {  	[sflag:s13] =	ssyncset.done $0x0  }
0x18: {  	[sflag:s13] =	ssyncadd.s32 $0xFFFFC000  }
0x19: {  	_ =	swait.ge [sflag:s13], $0x4000  }
0x1a: {  	[sflag:s13] =	ssyncset.done $0x0  }
0x1b: {  	[sflag:s13] =	ssyncadd.s32 $0xFFFFC000  }
0x1c: {  	_ =	swait.ge [sflag:s13], $0x4000  }
0x1d: {  	s19 =	sadd.s32 $0x6200, s22;
	s24 =	sshll.u32 s14, $0x4;
	[sflag:s13] =	ssyncset.done $0x0  }
0x1e: {  	s14 =	sadd.s32 s19, s24;
	[sflag:s13] =	ssyncadd.s32 $0xFFFFC000  }
0x1f: {  	[hbm4b:s14+s2] =	stream.linear.scatter [tilespmem:s7], [sflag:$0x2], $0x10000, $0x38;
	[tilespmem:$0x10400] =	vst v63  }
0x20: {  	_ =	swait.ge [sflag:s3], $0x10000  }
0x21: {  	[sflag:s3] =	ssyncset.done $0x0  }
0x22: {  	s15 =	simm.s32 $0x200;
	[sflag:s3] =	ssyncadd.s32 $0xFFFF0000  }
0x23: {  	[tilespmem:s7], [sflag:$0x1] =	stream.indirect.gather [hbm4b:s5+s6], $0x80, s15, s6, $0xb8;
	[tilespmem:$0x10400] =	vst v63  }
0x24: {  	s16 =	simm.s32 $0x280  }
0x25: {  	[tilespmem:s8], [sflag:$0x1] =	stream.indirect.gather [hbm4b:s5+s6], $0x80, s16, s6, $0xb8;
	[tilespmem:$0x10400] =	vst v63  }
0x26: {  	s17 =	simm.s32 $0x300  }
0x27: {  	[tilespmem:s10], [sflag:$0x1] =	stream.indirect.gather [hbm4b:s5+s6], $0x80, s17, s6, $0xb8;
	[tilespmem:$0x10400] =	vst v63  }
0x28: {  	s18 =	simm.s32 $0x380  }
0x29: {  	[tilespmem:s12], [sflag:$0x1] =	stream.indirect.gather [hbm4b:s5+s6], $0x80, s18, s6, $0xb8;
	[tilespmem:$0x10400] =	vst v63  }
0x2a: {  	_ =	swait.ge [sflag:s13], $0x4000  }
0x2b: {  	[sflag:s13] =	ssyncset.done $0x0  }
0x2c: {  	[sflag:s13] =	ssyncadd.s32 $0xFFFFC000  }
0x2d: {  	_ =	swait.ge [sflag:s13], $0x4000  }
0x2e: {  	[sflag:s13] =	ssyncset.done $0x0  }
0x2f: {  	[sflag:s13] =	ssyncadd.s32 $0xFFFFC000  }
0x30: {  	_ =	swait.ge [sflag:s13], $0x4000  }
0x31: {  	[sflag:s13] =	ssyncset.done $0x0  }
0x32: {  	[sflag:s13] =	ssyncadd.s32 $0xFFFFC000  }
0x33: {  	_ =	swait.ge [sflag:s13], $0x4000  }
0x34: {  	s25 =	sor.u32 $0x2000, s24;
	[sflag:s13] =	ssyncset.done $0x0  }
0x35: {  	s19 =	sadd.s32 s19, s25;
	[sflag:s13] =	ssyncadd.s32 $0xFFFFC000  }
0x36: {  	[hbm4b:s19+s2] =	stream.linear.scatter [tilespmem:s7], [sflag:$0x2], $0x10000, $0x38;
	[tilespmem:$0x10400] =	vst v63  }
0x37: {  	_ =	swait.ge [sflag:s3], $0x10000  }
0x38: {  	[sflag:s3] =	ssyncset.done $0x0  }
0x39: {  	s20 =	sadd.s32 $0x2000, s20;
	[sflag:s3] =	ssyncadd.s32 $0xFFFF0000  }
0x3a: {  	[tilespmem:s2], [sflag:$0x2] =	stream.linear.gather [hbm4b:s20+s2], $0x400, $0x38;
	[tilespmem:$0x10400] =	vst v63  }
0x3b: {  	_ =	swait.ge [sflag:s3], $0x400  }
0x3c: {  	[sflag:s3] =	ssyncset.done $0x0  }
0x3d: {  	s21 =	sadd.s32 $0x3000, s22;
	[sflag:s3] =	ssyncadd.s32 $0xFFFFFC00  }
0x3e: {  	[tilespmem:s7], [sflag:$0x1] =	stream.indirect.gather [hbm4b:s21+s6], $0x80, s2, s6, $0xb8;
	[tilespmem:$0x10400] =	vst v63  }
0x3f: {  	_ = 	snop  }
0x40: {  	[tilespmem:s8], [sflag:$0x1] =	stream.indirect.gather [hbm4b:s21+s6], $0x80, s6, s6, $0xb8;
	[tilespmem:$0x10400] =	vst v63  }
0x41: {  	_ = 	snop  }
0x42: {  	[tilespmem:s10], [sflag:$0x1] =	stream.indirect.gather [hbm4b:s21+s6], $0x80, s9, s6, $0xb8;
	[tilespmem:$0x10400] =	vst v63  }
0x43: {  	_ = 	snop  }
0x44: {  	[tilespmem:s12], [sflag:$0x1] =	stream.indirect.gather [hbm4b:s21+s6], $0x80, s11, s6, $0xb8;
	[tilespmem:$0x10400] =	vst v63  }
0x45: {  	_ =	swait.ge [sflag:s13], $0x4000  }
0x46: {  	[sflag:s13] =	ssyncset.done $0x0  }
0x47: {  	[sflag:s13] =	ssyncadd.s32 $0xFFFFC000  }
0x48: {  	_ =	swait.ge [sflag:s13], $0x4000  }
0x49: {  	[sflag:s13] =	ssyncset.done $0x0  }
0x4a: {  	[sflag:s13] =	ssyncadd.s32 $0xFFFFC000  }
0x4b: {  	_ =	swait.ge [sflag:s13], $0x4000  }
0x4c: {  	[sflag:s13] =	ssyncset.done $0x0  }
0x4d: {  	[sflag:s13] =	ssyncadd.s32 $0xFFFFC000  }
0x4e: {  	_ =	swait.ge [sflag:s13], $0x4000  }
0x4f: {  	s26 =	sadd.s32 $0x86200, s22;
	[sflag:s13] =	ssyncset.done $0x0  }
0x50: {  	s22 =	sadd.s32 s26, s24;
	[sflag:s13] =	ssyncadd.s32 $0xFFFFC000  }
0x51: {  	[hbm4b:s22+s2] =	stream.linear.scatter [tilespmem:s7], [sflag:$0x2], $0x10000, $0x38;
	[tilespmem:$0x10400] =	vst v63  }
0x52: {  	_ =	swait.ge [sflag:s3], $0x10000  }
0x53: {  	[sflag:s3] =	ssyncset.done $0x0  }
0x54: {  	[sflag:s3] =	ssyncadd.s32 $0xFFFF0000  }
0x55: {  	[tilespmem:s7], [sflag:$0x1] =	stream.indirect.gather [hbm4b:s21+s6], $0x80, s15, s6, $0xb8;
	[tilespmem:$0x10400] =	vst v63  }
0x56: {  	_ = 	snop  }
0x57: {  	[tilespmem:s8], [sflag:$0x1] =	stream.indirect.gather [hbm4b:s21+s6], $0x80, s16, s6, $0xb8;
	[tilespmem:$0x10400] =	vst v63  }
0x58: {  	_ = 	snop  }
0x59: {  	[tilespmem:s10], [sflag:$0x1] =	stream.indirect.gather [hbm4b:s21+s6], $0x80, s17, s6, $0xb8;
	[tilespmem:$0x10400] =	vst v63  }
0x5a: {  	_ = 	snop  }
0x5b: {  	[tilespmem:s12], [sflag:$0x1] =	stream.indirect.gather [hbm4b:s21+s6], $0x80, s18, s6, $0xb8;
	[tilespmem:$0x10400] =	vst v63  }
0x5c: {  	_ =	swait.ge [sflag:s13], $0x4000  }
0x5d: {  	[sflag:s13] =	ssyncset.done $0x0  }
0x5e: {  	[sflag:s13] =	ssyncadd.s32 $0xFFFFC000  }
0x5f: {  	_ =	swait.ge [sflag:s13], $0x4000  }
0x60: {  	[sflag:s13] =	ssyncset.done $0x0  }
0x61: {  	s23 =	ssub.s32 $0x2, s23;
	[sflag:s13] =	ssyncadd.s32 $0xFFFFC000  }
0x62: {  	s31 =	sshrl.u32 s23, $0x1;
	_ =	swait.ge [sflag:s13], $0x4000  }
0x63: {  	s24 =	ssub.s32 s23, s31;
	[sflag:s13] =	ssyncset.done $0x0  }
0x64: {  	s24 =	smax.u32 s24, $0x1;
	[sflag:s13] =	ssyncadd.s32 $0xFFFFC000  }
0x65: {  	p0 =	sne.s32 s24, $0x1;
	_ =	swait.ge [sflag:s13], $0x4000  }
.Ltmp0:
0x66: {  	[sflag:s13] =	ssyncset.done $0x0;
	(pc) =	sbr.rel @!p0 .LBB2_2-.Ltmp0, $4  }
0x67: {  	s23 =	sadd.s32 s26, s25;
	[sflag:s13] =	ssyncadd.s32 $0xFFFFC000  }
0x68: {  	[hbm4b:s23+s2] =	stream.linear.scatter [tilespmem:s7], [sflag:$0x2], $0x10000, $0x38;
	[tilespmem:$0x10400] =	vst v63  }
0x69: {  	_ =	swait.ge [sflag:s3], $0x10000  }
0x6a: {  	s24 =	sadd.s32 $0xFFFFFFFF, s24;
	[sflag:s3] =	ssyncset.done $0x0  }
.LBB2_1:
0x6b: {  	p0 =	sne.s32 s24, $0x1;
	s24 =	sadd.s32 $0xFFFFFFFF, s24;
	[sflag:s3] =	ssyncadd.s32 $0xFFFF0000  }
0x6c: {  	[tilespmem:s2], [sflag:$0x2] =	stream.linear.gather [hbm4b:s4+s2], $0x400, $0x38;
	[tilespmem:$0x10400] =	vst v63  }
0x6d: {  	_ =	swait.ge [sflag:s3], $0x400  }
0x6e: {  	[sflag:s3] =	ssyncset.done $0x0  }
0x6f: {  	[sflag:s3] =	ssyncadd.s32 $0xFFFFFC00  }
0x70: {  	[tilespmem:s7], [sflag:$0x1] =	stream.indirect.gather [hbm4b:s5+s6], $0x80, s2, s6, $0xb8;
	[tilespmem:$0x10400] =	vst v63  }
0x71: {  	_ = 	snop  }
0x72: {  	[tilespmem:s8], [sflag:$0x1] =	stream.indirect.gather [hbm4b:s5+s6], $0x80, s6, s6, $0xb8;
	[tilespmem:$0x10400] =	vst v63  }
0x73: {  	_ = 	snop  }
0x74: {  	[tilespmem:s10], [sflag:$0x1] =	stream.indirect.gather [hbm4b:s5+s6], $0x80, s9, s6, $0xb8;
	[tilespmem:$0x10400] =	vst v63  }
0x75: {  	_ = 	snop  }
0x76: {  	[tilespmem:s12], [sflag:$0x1] =	stream.indirect.gather [hbm4b:s5+s6], $0x80, s11, s6, $0xb8;
	[tilespmem:$0x10400] =	vst v63  }
0x77: {  	_ =	swait.ge [sflag:s13], $0x4000  }
0x78: {  	[sflag:s13] =	ssyncset.done $0x0  }
0x79: {  	[sflag:s13] =	ssyncadd.s32 $0xFFFFC000  }
0x7a: {  	_ =	swait.ge [sflag:s13], $0x4000  }
0x7b: {  	[sflag:s13] =	ssyncset.done $0x0  }
0x7c: {  	[sflag:s13] =	ssyncadd.s32 $0xFFFFC000  }
0x7d: {  	_ =	swait.ge [sflag:s13], $0x4000  }
0x7e: {  	[sflag:s13] =	ssyncset.done $0x0  }
0x7f: {  	[sflag:s13] =	ssyncadd.s32 $0xFFFFC000  }
0x80: {  	_ =	swait.ge [sflag:s13], $0x4000  }
0x81: {  	[sflag:s13] =	ssyncset.done $0x0  }
0x82: {  	[sflag:s13] =	ssyncadd.s32 $0xFFFFC000  }
0x83: {  	[hbm4b:s14+s2] =	stream.linear.scatter [tilespmem:s7], [sflag:$0x2], $0x10000, $0x38;
	[tilespmem:$0x10400] =	vst v63  }
0x84: {  	_ =	swait.ge [sflag:s3], $0x10000  }
0x85: {  	[sflag:s3] =	ssyncset.done $0x0  }
0x86: {  	[sflag:s3] =	ssyncadd.s32 $0xFFFF0000  }
0x87: {  	[tilespmem:s7], [sflag:$0x1] =	stream.indirect.gather [hbm4b:s5+s6], $0x80, s15, s6, $0xb8;
	[tilespmem:$0x10400] =	vst v63  }
0x88: {  	_ = 	snop  }
0x89: {  	[tilespmem:s8], [sflag:$0x1] =	stream.indirect.gather [hbm4b:s5+s6], $0x80, s16, s6, $0xb8;
	[tilespmem:$0x10400] =	vst v63  }
0x8a: {  	_ = 	snop  }
0x8b: {  	[tilespmem:s10], [sflag:$0x1] =	stream.indirect.gather [hbm4b:s5+s6], $0x80, s17, s6, $0xb8;
	[tilespmem:$0x10400] =	vst v63  }
0x8c: {  	_ = 	snop  }
0x8d: {  	[tilespmem:s12], [sflag:$0x1] =	stream.indirect.gather [hbm4b:s5+s6], $0x80, s18, s6, $0xb8;
	[tilespmem:$0x10400] =	vst v63  }
0x8e: {  	_ =	swait.ge [sflag:s13], $0x4000  }
0x8f: {  	[sflag:s13] =	ssyncset.done $0x0  }
0x90: {  	[sflag:s13] =	ssyncadd.s32 $0xFFFFC000  }
0x91: {  	_ =	swait.ge [sflag:s13], $0x4000  }
0x92: {  	[sflag:s13] =	ssyncset.done $0x0  }
0x93: {  	[sflag:s13] =	ssyncadd.s32 $0xFFFFC000  }
0x94: {  	_ =	swait.ge [sflag:s13], $0x4000  }
0x95: {  	[sflag:s13] =	ssyncset.done $0x0  }
0x96: {  	[sflag:s13] =	ssyncadd.s32 $0xFFFFC000  }
0x97: {  	_ =	swait.ge [sflag:s13], $0x4000  }
0x98: {  	[sflag:s13] =	ssyncset.done $0x0  }
0x99: {  	[sflag:s13] =	ssyncadd.s32 $0xFFFFC000  }
0x9a: {  	[hbm4b:s19+s2] =	stream.linear.scatter [tilespmem:s7], [sflag:$0x2], $0x10000, $0x38;
	[tilespmem:$0x10400] =	vst v63  }
0x9b: {  	_ =	swait.ge [sflag:s3], $0x10000  }
0x9c: {  	[sflag:s3] =	ssyncset.done $0x0  }
0x9d: {  	[sflag:s3] =	ssyncadd.s32 $0xFFFF0000  }
0x9e: {  	[tilespmem:s2], [sflag:$0x2] =	stream.linear.gather [hbm4b:s20+s2], $0x400, $0x38;
	[tilespmem:$0x10400] =	vst v63  }
0x9f: {  	_ =	swait.ge [sflag:s3], $0x400  }
0xa0: {  	[sflag:s3] =	ssyncset.done $0x0  }
0xa1: {  	[sflag:s3] =	ssyncadd.s32 $0xFFFFFC00  }
0xa2: {  	[tilespmem:s7], [sflag:$0x1] =	stream.indirect.gather [hbm4b:s21+s6], $0x80, s2, s6, $0xb8;
	[tilespmem:$0x10400] =	vst v63  }
0xa3: {  	_ = 	snop  }
0xa4: {  	[tilespmem:s8], [sflag:$0x1] =	stream.indirect.gather [hbm4b:s21+s6], $0x80, s6, s6, $0xb8;
	[tilespmem:$0x10400] =	vst v63  }
0xa5: {  	_ = 	snop  }
0xa6: {  	[tilespmem:s10], [sflag:$0x1] =	stream.indirect.gather [hbm4b:s21+s6], $0x80, s9, s6, $0xb8;
	[tilespmem:$0x10400] =	vst v63  }
0xa7: {  	_ = 	snop  }
0xa8: {  	[tilespmem:s12], [sflag:$0x1] =	stream.indirect.gather [hbm4b:s21+s6], $0x80, s11, s6, $0xb8;
	[tilespmem:$0x10400] =	vst v63  }
0xa9: {  	_ =	swait.ge [sflag:s13], $0x4000  }
0xaa: {  	[sflag:s13] =	ssyncset.done $0x0  }
0xab: {  	[sflag:s13] =	ssyncadd.s32 $0xFFFFC000  }
0xac: {  	_ =	swait.ge [sflag:s13], $0x4000  }
0xad: {  	[sflag:s13] =	ssyncset.done $0x0  }
0xae: {  	[sflag:s13] =	ssyncadd.s32 $0xFFFFC000  }
0xaf: {  	_ =	swait.ge [sflag:s13], $0x4000  }
0xb0: {  	[sflag:s13] =	ssyncset.done $0x0  }
0xb1: {  	[sflag:s13] =	ssyncadd.s32 $0xFFFFC000  }
0xb2: {  	_ =	swait.ge [sflag:s13], $0x4000  }
0xb3: {  	[sflag:s13] =	ssyncset.done $0x0  }
0xb4: {  	[sflag:s13] =	ssyncadd.s32 $0xFFFFC000  }
0xb5: {  	[hbm4b:s22+s2] =	stream.linear.scatter [tilespmem:s7], [sflag:$0x2], $0x10000, $0x38;
	[tilespmem:$0x10400] =	vst v63  }
0xb6: {  	_ =	swait.ge [sflag:s3], $0x10000  }
0xb7: {  	[sflag:s3] =	ssyncset.done $0x0  }
0xb8: {  	[sflag:s3] =	ssyncadd.s32 $0xFFFF0000  }
0xb9: {  	[tilespmem:s7], [sflag:$0x1] =	stream.indirect.gather [hbm4b:s21+s6], $0x80, s15, s6, $0xb8;
	[tilespmem:$0x10400] =	vst v63  }
0xba: {  	_ = 	snop  }
0xbb: {  	[tilespmem:s8], [sflag:$0x1] =	stream.indirect.gather [hbm4b:s21+s6], $0x80, s16, s6, $0xb8;
	[tilespmem:$0x10400] =	vst v63  }
0xbc: {  	_ = 	snop  }
0xbd: {  	[tilespmem:s10], [sflag:$0x1] =	stream.indirect.gather [hbm4b:s21+s6], $0x80, s17, s6, $0xb8;
	[tilespmem:$0x10400] =	vst v63  }
0xbe: {  	_ = 	snop  }
0xbf: {  	[tilespmem:s12], [sflag:$0x1] =	stream.indirect.gather [hbm4b:s21+s6], $0x80, s18, s6, $0xb8;
	[tilespmem:$0x10400] =	vst v63  }
0xc0: {  	_ =	swait.ge [sflag:s13], $0x4000  }
0xc1: {  	[sflag:s13] =	ssyncset.done $0x0  }
0xc2: {  	[sflag:s13] =	ssyncadd.s32 $0xFFFFC000  }
0xc3: {  	_ =	swait.ge [sflag:s13], $0x4000  }
0xc4: {  	[sflag:s13] =	ssyncset.done $0x0  }
0xc5: {  	[sflag:s13] =	ssyncadd.s32 $0xFFFFC000  }
0xc6: {  	_ =	swait.ge [sflag:s13], $0x4000  }
0xc7: {  	[sflag:s13] =	ssyncset.done $0x0  }
0xc8: {  	[sflag:s13] =	ssyncadd.s32 $0xFFFFC000  }
0xc9: {  	_ =	swait.ge [sflag:s13], $0x4000  }
.Ltmp1:
0xca: {  	[sflag:s13] =	ssyncset.done $0x0;
	(pc) =	sbr.rel @p0 .LBB2_1-.Ltmp1, $4  }
0xcb: {  	[sflag:s13] =	ssyncadd.s32 $0xFFFFC000  }
0xcc: {  	[hbm4b:s23+s2] =	stream.linear.scatter [tilespmem:s7], [sflag:$0x2], $0x10000, $0x38;
	[tilespmem:$0x10400] =	vst v63  }
0xcd: {  	_ =	swait.ge [sflag:s3], $0x10000  }
0xce: {  	[sflag:s3] =	ssyncset.done $0x0  }
.LBB2_2:
0xcf: {  	[sflag:s3] =	ssyncadd.s32 $0xFFFF0000  }
0xd0: {  	_ =	sfence.sel $0x180000  }
0xd1: {  	[bflag:$0x0] =	sbarrier.arrive $0xFFFF  }
0xd2: {  	p0 =	sne.s32 s0, $0x0;
	_ =	strace $0x90000047  }
0xd3: {  	s0 =	sadd.s32 @!p0 $0x100000, s1;
	[bflag:$0x2] =	sbarrier.arrive $0xFFFF  }
0xd4: {  	[sflag:s0] =	ssyncadd.tile.s32 @!p0 $0x1;
	_ =	shalt  }
.Lfunc_end2:
_tile_overlayer_lowered:
.L_overlay_start_2:
0xd5: {  	(tag) =	ssettag $0x2  }
0xd6: {  	s0 =	rddreg [dreg:$0x0];
	s2 =	stileid.u32  }
0xd7: {  	s1 =	rddreg [dreg:$0x1];
	p0 =	sne.s32 s2, $0x0  }
0xd8: {  	s3 =	rddreg [dreg:$0x2];
	[bflag:$0x3] =	sbarrier.arrive $0xFFFF;
	s2 =	simm.s32 @!p0 $0x1C02  }
0xd9: {  	[timem:s3], [sflag:s2] =	dma.local @!p0 [hbm:s0], s1  }
0xda: {  	s0 =	simm.s32 @!p0 $0x2  }
0xdb: {  	_ =	swait.ge @!p0 [sflag:s0], s1  }
0xdc: {  	s1 =	ssub.s32 @!p0 $0x0, s1;
	[sflag:s0] =	ssyncset.done @!p0 $0x0  }
0xdd: {  	[sflag:s0] =	ssyncadd.s32 @!p0 s1  }
0xde: {  	[bflag:$0x3] =	sbarrier.arrive $0xFFFF  }
0xdf: {  	_ =	shalt  }

</sc_bundles>
